<compile_context>
chip_gen: v7x
topology: tpu7x:2x2x1
jax: 0.10.2.dev20260603
libtpu: 0.0.44.dev20260713+nightly
codegen_flags: <defaults>
</compile_context>

<pallas_src>
import functools
import math

import jax
import jax.numpy as jnp
from jax import lax
from jax.experimental import pallas as pl
from jax.experimental.pallas import tpu as pltpu
from jax.experimental.pallas import tpu_sc as plsc

D_MODEL = 512
SCALE = math.sqrt(D_MODEL)

NUM_CORES = 2
NUM_SUBCORES = 16
NUM_WORKERS = NUM_CORES * NUM_SUBCORES
LANES = 16

CHUNK = 32
NBUF = 7
VECS_PER_ROW = D_MODEL // LANES


def _make_kernel(n_batch: int, n_seq: int):
    n_rows = n_batch * n_seq
    b_per_w = n_rows // NUM_WORKERS
    w_per_row = n_seq // b_per_w
    n_chunks = b_per_w // CHUNK

    mesh = plsc.VectorSubcoreMesh(
        core_axis_name="c", subcore_axis_name="s", num_cores=NUM_CORES
    )

    @functools.partial(
        pl.kernel,
        mesh=mesh,
        out_type=jax.ShapeDtypeStruct((n_rows, D_MODEL), jnp.float32),
        scratch_types=[
            pltpu.VMEM((b_per_w,), jnp.int32),
            pltpu.VMEM((NBUF * CHUNK, D_MODEL), jnp.float32),
            pltpu.SemaphoreType.DMA((NBUF,)),
            pltpu.SemaphoreType.DMA((NBUF,)),
        ],
    )
    def emb_kernel(idx_hbm, lut_hbm, out_hbm, idx_v, buf, gsems, osems):
        wid = lax.axis_index("s") * NUM_CORES + lax.axis_index("c")
        base = wid * b_per_w
        pltpu.sync_copy(
            idx_hbm.at[wid // w_per_row, pl.ds((wid % w_per_row) * b_per_w, b_per_w)],
            idx_v,
        )

        def gather_copy(c, slot):
            return pltpu.make_async_copy(
                lut_hbm.at[idx_v.at[pl.ds(c * CHUNK, CHUNK)]],
                buf.at[pl.ds(slot * CHUNK, CHUNK)],
                gsems.at[slot],
            )

        def out_copy(c, slot):
            return pltpu.make_async_copy(
                buf.at[pl.ds(slot * CHUNK, CHUNK)],
                out_hbm.at[pl.ds(base + c * CHUNK, CHUNK)],
                osems.at[slot],
            )

        def prime(c, _):
            gather_copy(c, c).start()
            return _

        lax.fori_loop(0, NBUF - 1, prime, None)

        def step(c, _):
            slot = lax.rem(c, NBUF)
            gather_copy(c, slot).wait()

            @plsc.parallel_loop(0, CHUNK, unroll=2)
            def _row(r):
                row = slot * CHUNK + r
                for j in range(VECS_PER_ROW):
                    sl = pl.ds(j * LANES, LANES)
                    buf[row, sl] = buf[row, sl] * SCALE

            out_copy(c, slot).start()
            nxt = c + NBUF - 1

            @pl.when(nxt < n_chunks)
            def _():
                @pl.when(c >= 1)
                def _():
                    out_copy(c - 1, lax.rem(c - 1, NBUF)).wait()

                gather_copy(nxt, lax.rem(nxt, NBUF)).start()

            return _

        lax.fori_loop(0, n_chunks, step, None)

        def drain(c, _):
            out_copy(c, lax.rem(c, NBUF)).wait()
            return _

        lax.fori_loop(max(n_chunks - NBUF + 1, 0), n_chunks, drain, None)

    return emb_kernel


@jax.jit
def kernel(X, lut):
    n_batch, n_seq = X.shape
    out = _make_kernel(n_batch, n_seq)(X.astype(jnp.int32), lut)
    return out.reshape(n_batch, n_seq, D_MODEL)

# --- scband reference (transcript-rebuilt; emitter-appended) ---
"""Pipeline reference for scband-embeddings-2516850835530 (READ-ONLY COPY).

The authoritative reference and input builder live on the scoring server;
editing this copy changes nothing except your own understanding.
"""

import jax, jax.numpy as jnp
import numpy as np
import math

D_MODEL = 512
VOCAB = 100000

def setup_inputs(seed: int = 0) -> dict:
    key = jax.random.key(seed)
    k_idx, k_tab = jax.random.split(key)
    X = jax.random.randint(k_idx, (4, 4096), 0, VOCAB, dtype=jnp.int32).astype(jnp.int64)
    # nn.Embedding default init: N(0, 1)
    lut = jax.random.normal(k_tab, (VOCAB, D_MODEL), dtype=jnp.float32)
    return {"X": X, "lut": lut}

def reference(X, lut):
    # Embeddings.forward: self.lut(X) * math.sqrt(self.d_model)
    emb = jnp.take(lut, X, axis=0)
    return emb * math.sqrt(D_MODEL)

if __name__ == "__main__":
    import jax
    _d = setup_inputs()
    print(jax.jit(kernel)(*tuple(_d.values())))

</pallas_src>

<mosaic_0001>
#map = affine_map<(d0, d1) -> (0, 0)>
module attributes {stable_mosaic.version = 14 : i64} {
  func.func @emb_kernel(%arg0: i32, %arg1: i32, %arg2: memref<4x4096xi32, #tpu.memory_space<hbm>>, %arg3: memref<100000x512xf32, #tpu.memory_space<hbm>>, %arg4: memref<16384x512xf32, #tpu.memory_space<hbm>>, %arg5: memref<512xi32, #tpu.memory_space<vmem>>, %arg6: memref<224x512xf32, #tpu.memory_space<vmem>>, %arg7: memref<7x!tpu.dma_semaphore, #tpu.memory_space<semaphore_mem>>, %arg8: memref<7x!tpu.dma_semaphore, #tpu.memory_space<semaphore_mem>>) attributes {dimension_semantics = [#tpu.dimension_semantics<core_parallel>, #tpu.dimension_semantics<subcore_parallel>], iteration_bounds = array<i64: 2, 16>, scalar_prefetch = 0 : i64, scratch_operands = 4 : i64, tpu.core_type = #tpu.core_type<sc_vector_subcore>, window_params = [{transform_indices = #map}, {transform_indices = #map}, {transform_indices = #map}]} {
    %mul3A = arith.constant 2 : i32
    %mul3A_0 = arith.muli %arg1, %mul3A : i32
    %add3A = arith.addi %mul3A_0, %arg0 : i32
    %mul3A_1 = arith.constant 512 : i32
    %mul3A_2 = arith.muli %add3A, %mul3A_1 : i32
    %jit3A = arith.constant 8 : i32
    %div3A = arith.divsi %add3A, %jit3A : i32
    %sign3A = arith.constant 0 : i32
    %sign3A_3 = arith.cmpi sgt, %add3A, %sign3A : i32
    %sign3A_4 = arith.extui %sign3A_3 : i1 to i32
    %sign3A_5 = arith.constant 0 : i32
    %sign3A_6 = arith.cmpi slt, %add3A, %sign3A_5 : i32
    %sign3A_7 = arith.extui %sign3A_6 : i1 to i32
    %sign3A_8 = arith.subi %sign3A_4, %sign3A_7 : i32
    %sign3A_9 = arith.constant 0 : i32
    %sign3A_10 = arith.cmpi sgt, %jit3A, %sign3A_9 : i32
    %sign3A_11 = arith.extui %sign3A_10 : i1 to i32
    %sign3A_12 = arith.constant 0 : i32
    %sign3A_13 = arith.cmpi slt, %jit3A, %sign3A_12 : i32
    %sign3A_14 = arith.extui %sign3A_13 : i1 to i32
    %sign3A_15 = arith.subi %sign3A_11, %sign3A_14 : i32
    %ne3A = arith.cmpi ne, %sign3A_8, %sign3A_15 : i32
    %rem3A = arith.remsi %add3A, %jit3A : i32
    %ne3A_16 = arith.constant 0 : i32
    %ne3A_17 = arith.cmpi ne, %rem3A, %ne3A_16 : i32
    %and3A = arith.andi %ne3A, %ne3A_17 : i1
    %sub3A = arith.constant 1 : i32
    %sub3A_18 = arith.subi %div3A, %sub3A : i32
    %select_n3A = arith.select %and3A, %sub3A_18, %div3A : i32
    %jit3A_19 = arith.constant 8 : i32
    %eq3A = arith.constant 0 : i32
    %eq3A_20 = arith.cmpi eq, %jit3A_19, %eq3A : i32
    %jit3A_21 = arith.constant 1 : i32
    %select_n3A_22 = arith.select %eq3A_20, %jit3A_21, %jit3A_19 : i32
    %rem3A_23 = arith.remsi %add3A, %select_n3A_22 : i32
    %ne3A_24 = arith.constant 0 : i32
    %ne3A_25 = arith.cmpi ne, %rem3A_23, %ne3A_24 : i32
    %lt3A = arith.constant 0 : i32
    %lt3A_26 = arith.cmpi slt, %rem3A_23, %lt3A : i32
    %lt3A_27 = arith.constant 0 : i32
    %lt3A_28 = arith.cmpi slt, %select_n3A_22, %lt3A_27 : i32
    %ne3A_29 = arith.xori %lt3A_26, %lt3A_28 : i1
    %and3A_30 = arith.andi %ne3A_29, %ne3A_25 : i1
    %add3A_31 = arith.addi %rem3A_23, %select_n3A_22 : i32
    %select_n3A_32 = arith.select %and3A_30, %add3A_31, %rem3A_23 : i32
    %mul3A_33 = arith.constant 512 : i32
    %mul3A_34 = arith.muli %select_n3A_32, %mul3A_33 : i32
    "tpu.region"() ({
      %run_scoped3A = tpu.sem_alloc : memref<!tpu.dma_semaphore, #tpu.memory_space<semaphore_mem>>
      %dma_start3A = tpu.memref_slice %arg2[%select_n3A, %mul3A_34] : memref<4x4096xi32, #tpu.memory_space<hbm>> -> memref<1x512xi32, #tpu.memory_space<hbm>>
      %dma_start3A_49 = tpu.memref_squeeze %dma_start3A : memref<1x512xi32, #tpu.memory_space<hbm>> -> memref<512xi32, #tpu.memory_space<hbm>>
      %dma_start3A_50 = tpu.memref_slice %arg2[%select_n3A, %mul3A_34] : memref<4x4096xi32, #tpu.memory_space<hbm>> -> memref<1x512xi32, #tpu.memory_space<hbm>>
      %dma_start3A_51 = tpu.memref_squeeze %dma_start3A_50 : memref<1x512xi32, #tpu.memory_space<hbm>> -> memref<512xi32, #tpu.memory_space<hbm>>
      tpu.enqueue_dma source(%dma_start3A_51 : memref<512xi32, #tpu.memory_space<hbm>>) target(%arg5 : memref<512xi32, #tpu.memory_space<vmem>>) target_semaphore(%run_scoped3A : memref<!tpu.dma_semaphore, #tpu.memory_space<semaphore_mem>>)
      %dma_wait3A = tpu.memref_slice %arg2[%select_n3A, %mul3A_34] : memref<4x4096xi32, #tpu.memory_space<hbm>> -> memref<1x512xi32, #tpu.memory_space<hbm>>
      %dma_wait3A_52 = tpu.memref_squeeze %dma_wait3A : memref<1x512xi32, #tpu.memory_space<hbm>> -> memref<512xi32, #tpu.memory_space<hbm>>
      %dma_wait3A_53 = tpu.memref_slice %arg2[%select_n3A, %mul3A_34] : memref<4x4096xi32, #tpu.memory_space<hbm>> -> memref<1x512xi32, #tpu.memory_space<hbm>>
      %dma_wait3A_54 = tpu.memref_squeeze %dma_wait3A_53 : memref<1x512xi32, #tpu.memory_space<hbm>> -> memref<512xi32, #tpu.memory_space<hbm>>
      tpu.wait_dma2 semaphore(%run_scoped3A : memref<!tpu.dma_semaphore, #tpu.memory_space<semaphore_mem>>) src(%dma_wait3A_54 : memref<512xi32, #tpu.memory_space<hbm>>) dst(%arg5 : memref<512xi32, #tpu.memory_space<vmem>>)
      tpu.yield
    }) : () -> ()
    %scan3A = arith.constant 0 : i32
    %scan3A_35 = arith.constant 6 : i32
    %scan3A_36 = arith.addi %scan3A, %scan3A_35 : i32
    %scan3A_37 = arith.constant 1 : i32
    scf.for %scan3A_49 = %scan3A to %scan3A_36 step %scan3A_37  : i32 {
      %mul3A_50 = arith.constant 32 : i32
      %mul3A_51 = arith.muli %scan3A_49, %mul3A_50 : i32
      %mul3A_52 = arith.constant 32 : i32
      %mul3A_53 = arith.muli %scan3A_49, %mul3A_52 : i32
      %dma_start3A = arith.constant 0 : i32
      %dma_start3A_54 = tpu.memref_slice %arg6[%mul3A_53, %dma_start3A] : memref<224x512xf32, #tpu.memory_space<vmem>> -> memref<32x512xf32, #tpu.memory_space<vmem>>
      %dma_start3A_55 = tpu.memref_slice %arg5[%mul3A_51] : memref<512xi32, #tpu.memory_space<vmem>> -> memref<32xi32, #tpu.memory_space<vmem>>
      %dma_start3A_56 = arith.constant 0 : i32
      %dma_start3A_57 = arith.constant 0 : i32
      %dma_start3A_58 = tpu.memref_slice %arg3[%dma_start3A_56, %dma_start3A_57] : memref<100000x512xf32, #tpu.memory_space<hbm>> -> memref<100000x512xf32, #tpu.memory_space<hbm>>
      %dma_start3A_59 = tpu.memref_slice %arg7[%scan3A_49] : memref<7x!tpu.dma_semaphore, #tpu.memory_space<semaphore_mem>> -> memref<1x!tpu.dma_semaphore, #tpu.memory_space<semaphore_mem>>
      %dma_start3A_60 = tpu.memref_squeeze %dma_start3A_59 : memref<1x!tpu.dma_semaphore, #tpu.memory_space<semaphore_mem>> -> memref<!tpu.dma_semaphore, #tpu.memory_space<semaphore_mem>>
      tpu.enqueue_indirect_dma source(%dma_start3A_58 : memref<100000x512xf32, #tpu.memory_space<hbm>>) target(%dma_start3A_54 : memref<32x512xf32, #tpu.memory_space<vmem>>) offsets(%dma_start3A_55 : memref<32xi32, #tpu.memory_space<vmem>>) semaphore(%dma_start3A_60 : memref<!tpu.dma_semaphore, #tpu.memory_space<semaphore_mem>>)
    }
    %scan3A_38 = arith.constant 6 : i32
    %scan3A_39 = arith.constant 0 : i32
    %scan3A_40 = arith.constant 16 : i32
    %scan3A_41 = arith.addi %scan3A_39, %scan3A_40 : i32
    %scan3A_42 = arith.constant 1 : i32
    scf.for %scan3A_49 = %scan3A_39 to %scan3A_41 step %scan3A_42  : i32 {
      %rem3A_50 = arith.constant 7 : i32
      %rem3A_51 = arith.remsi %scan3A_49, %rem3A_50 : i32
      %mul3A_52 = arith.constant 32 : i32
      %mul3A_53 = arith.muli %scan3A_49, %mul3A_52 : i32
      %mul3A_54 = arith.constant 32 : i32
      %mul3A_55 = arith.muli %rem3A_51, %mul3A_54 : i32
      %dma_wait3A = arith.constant 0 : i32
      %dma_wait3A_56 = tpu.memref_slice %arg6[%mul3A_55, %dma_wait3A] : memref<224x512xf32, #tpu.memory_space<vmem>> -> memref<32x512xf32, #tpu.memory_space<vmem>>
      %dma_wait3A_57 = tpu.memref_slice %arg5[%mul3A_53] : memref<512xi32, #tpu.memory_space<vmem>> -> memref<32xi32, #tpu.memory_space<vmem>>
      %dma_wait3A_58 = arith.constant 0 : i32
      %dma_wait3A_59 = arith.constant 0 : i32
      %dma_wait3A_60 = tpu.memref_slice %arg3[%dma_wait3A_58, %dma_wait3A_59] : memref<100000x512xf32, #tpu.memory_space<hbm>> -> memref<100000x512xf32, #tpu.memory_space<hbm>>
      %dma_wait3A_61 = tpu.memref_slice %arg7[%rem3A_51] : memref<7x!tpu.dma_semaphore, #tpu.memory_space<semaphore_mem>> -> memref<1x!tpu.dma_semaphore, #tpu.memory_space<semaphore_mem>>
      %dma_wait3A_62 = tpu.memref_squeeze %dma_wait3A_61 : memref<1x!tpu.dma_semaphore, #tpu.memory_space<semaphore_mem>> -> memref<!tpu.dma_semaphore, #tpu.memory_space<semaphore_mem>>
      tpu.wait_indirect_dma semaphore(%dma_wait3A_62 : memref<!tpu.dma_semaphore, #tpu.memory_space<semaphore_mem>>) src(%dma_wait3A_60 : memref<100000x512xf32, #tpu.memory_space<hbm>>) dst(%dma_wait3A_56 : memref<32x512xf32, #tpu.memory_space<vmem>>)
      %parallel_loop3A = arith.constant 0 : i32
      %parallel_loop3A_63 = arith.constant 32 : i32
      %parallel_loop3A_64 = arith.constant 1 : i32
      scf.for %parallel_loop3A_86 = %parallel_loop3A to %parallel_loop3A_63 step %parallel_loop3A_64  : i32 {
        %parallel_loop3A_87 = arith.constant 32 : i32
        %parallel_loop3A_88 = arith.muli %rem3A_51, %parallel_loop3A_87 : i32
        %parallel_loop3A_89 = arith.addi %parallel_loop3A_88, %parallel_loop3A_86 : i32
        %parallel_loop3A_90 = arith.index_cast %parallel_loop3A_89 : i32 to index
        %parallel_loop3A_91 = arith.constant 0 : index
        %parallel_loop3A_92 = tpu.vector_load %arg6[%parallel_loop3A_90, %parallel_loop3A_91] {strides = array<i32>} : memref<224x512xf32, #tpu.memory_space<vmem>>, vector<1x16xf32>,
        %parallel_loop3A_93 = vector.shape_cast %parallel_loop3A_92 : vector<1x16xf32> to vector<16xf32>
        %parallel_loop3A_94 = arith.constant 22.6274166 : f32
        %parallel_loop3A_95 = vector.broadcast %parallel_loop3A_94 : f32 to vector<16xf32>
        %parallel_loop3A_96 = arith.mulf %parallel_loop3A_93, %parallel_loop3A_95 : vector<16xf32>
        %parallel_loop3A_97 = arith.index_cast %parallel_loop3A_89 : i32 to index
        %parallel_loop3A_98 = arith.constant 0 : index
        %parallel_loop3A_99 = tpu.vector_load %arg6[%parallel_loop3A_97, %parallel_loop3A_98] {strides = array<i32>} : memref<224x512xf32, #tpu.memory_space<vmem>>, vector<1x16xf32>,
        %parallel_loop3A_100 = vector.shape_cast %parallel_loop3A_99 : vector<1x16xf32> to vector<16xf32>
        %parallel_loop3A_101 = vector.shape_cast %parallel_loop3A_96 : vector<16xf32> to vector<1x16xf32>
        tpu.vector_store %arg6[%parallel_loop3A_97, %parallel_loop3A_98], %parallel_loop3A_101 {strides = array<i32>} : memref<224x512xf32, #tpu.memory_space<vmem>>, vector<1x16xf32>,
        %parallel_loop3A_102 = arith.index_cast %parallel_loop3A_89 : i32 to index
        %parallel_loop3A_103 = arith.constant 16 : index
        %parallel_loop3A_104 = tpu.vector_load %arg6[%parallel_loop3A_102, %parallel_loop3A_103] {strides = array<i32>} : memref<224x512xf32, #tpu.memory_space<vmem>>, vector<1x16xf32>,
        %parallel_loop3A_105 = vector.shape_cast %parallel_loop3A_104 : vector<1x16xf32> to vector<16xf32>
        %parallel_loop3A_106 = arith.constant 22.6274166 : f32
        %parallel_loop3A_107 = vector.broadcast %parallel_loop3A_106 : f32 to vector<16xf32>
        %parallel_loop3A_108 = arith.mulf %parallel_loop3A_105, %parallel_loop3A_107 : vector<16xf32>
        %parallel_loop3A_109 = arith.index_cast %parallel_loop3A_89 : i32 to index
        %parallel_loop3A_110 = arith.constant 16 : index
        %parallel_loop3A_111 = tpu.vector_load %arg6[%parallel_loop3A_109, %parallel_loop3A_110] {strides = array<i32>} : memref<224x512xf32, #tpu.memory_space<vmem>>, vector<1x16xf32>,
        %parallel_loop3A_112 = vector.shape_cast %parallel_loop3A_111 : vector<1x16xf32> to vector<16xf32>
        %parallel_loop3A_113 = vector.shape_cast %parallel_loop3A_108 : vector<16xf32> to vector<1x16xf32>
        tpu.vector_store %arg6[%parallel_loop3A_109, %parallel_loop3A_110], %parallel_loop3A_113 {strides = array<i32>} : memref<224x512xf32, #tpu.memory_space<vmem>>, vector<1x16xf32>,
        %parallel_loop3A_114 = arith.index_cast %parallel_loop3A_89 : i32 to index
        %parallel_loop3A_115 = arith.constant 32 : index
        %parallel_loop3A_116 = tpu.vector_load %arg6[%parallel_loop3A_114, %parallel_loop3A_115] {strides = array<i32>} : memref<224x512xf32, #tpu.memory_space<vmem>>, vector<1x16xf32>,
        %parallel_loop3A_117 = vector.shape_cast %parallel_loop3A_116 : vector<1x16xf32> to vector<16xf32>
        %parallel_loop3A_118 = arith.constant 22.6274166 : f32
        %parallel_loop3A_119 = vector.broadcast %parallel_loop3A_118 : f32 to vector<16xf32>
        %parallel_loop3A_120 = arith.mulf %parallel_loop3A_117, %parallel_loop3A_119 : vector<16xf32>
        %parallel_loop3A_121 = arith.index_cast %parallel_loop3A_89 : i32 to index
        %parallel_loop3A_122 = arith.constant 32 : index
        %parallel_loop3A_123 = tpu.vector_load %arg6[%parallel_loop3A_121, %parallel_loop3A_122] {strides = array<i32>} : memref<224x512xf32, #tpu.memory_space<vmem>>, vector<1x16xf32>,
        %parallel_loop3A_124 = vector.shape_cast %parallel_loop3A_123 : vector<1x16xf32> to vector<16xf32>
        %parallel_loop3A_125 = vector.shape_cast %parallel_loop3A_120 : vector<16xf32> to vector<1x16xf32>
        tpu.vector_store %arg6[%parallel_loop3A_121, %parallel_loop3A_122], %parallel_loop3A_125 {strides = array<i32>} : memref<224x512xf32, #tpu.memory_space<vmem>>, vector<1x16xf32>,
        %parallel_loop3A_126 = arith.index_cast %parallel_loop3A_89 : i32 to index
        %parallel_loop3A_127 = arith.constant 48 : index
        %parallel_loop3A_128 = tpu.vector_load %arg6[%parallel_loop3A_126, %parallel_loop3A_127] {strides = array<i32>} : memref<224x512xf32, #tpu.memory_space<vmem>>, vector<1x16xf32>,
        %parallel_loop3A_129 = vector.shape_cast %parallel_loop3A_128 : vector<1x16xf32> to vector<16xf32>
        %parallel_loop3A_130 = arith.constant 22.6274166 : f32
        %parallel_loop3A_131 = vector.broadcast %parallel_loop3A_130 : f32 to vector<16xf32>
        %parallel_loop3A_132 = arith.mulf %parallel_loop3A_129, %parallel_loop3A_131 : vector<16xf32>
        %parallel_loop3A_133 = arith.index_cast %parallel_loop3A_89 : i32 to index
        %parallel_loop3A_134 = arith.constant 48 : index
        %parallel_loop3A_135 = tpu.vector_load %arg6[%parallel_loop3A_133, %parallel_loop3A_134] {strides = array<i32>} : memref<224x512xf32, #tpu.memory_space<vmem>>, vector<1x16xf32>,
        %parallel_loop3A_136 = vector.shape_cast %parallel_loop3A_135 : vector<1x16xf32> to vector<16xf32>
        %parallel_loop3A_137 = vector.shape_cast %parallel_loop3A_132 : vector<16xf32> to vector<1x16xf32>
        tpu.vector_store %arg6[%parallel_loop3A_133, %parallel_loop3A_134], %parallel_loop3A_137 {strides = array<i32>} : memref<224x512xf32, #tpu.memory_space<vmem>>, vector<1x16xf32>,
        %parallel_loop3A_138 = arith.index_cast %parallel_loop3A_89 : i32 to index
        %parallel_loop3A_139 = arith.constant 64 : index
        %parallel_loop3A_140 = tpu.vector_load %arg6[%parallel_loop3A_138, %parallel_loop3A_139] {strides = array<i32>} : memref<224x512xf32, #tpu.memory_space<vmem>>, vector<1x16xf32>,
        %parallel_loop3A_141 = vector.shape_cast %parallel_loop3A_140 : vector<1x16xf32> to vector<16xf32>
        %parallel_loop3A_142 = arith.constant 22.6274166 : f32
        %parallel_loop3A_143 = vector.broadcast %parallel_loop3A_142 : f32 to vector<16xf32>
        %parallel_loop3A_144 = arith.mulf %parallel_loop3A_141, %parallel_loop3A_143 : vector<16xf32>
        %parallel_loop3A_145 = arith.index_cast %parallel_loop3A_89 : i32 to index
        %parallel_loop3A_146 = arith.constant 64 : index
        %parallel_loop3A_147 = tpu.vector_load %arg6[%parallel_loop3A_145, %parallel_loop3A_146] {strides = array<i32>} : memref<224x512xf32, #tpu.memory_space<vmem>>, vector<1x16xf32>,
        %parallel_loop3A_148 = vector.shape_cast %parallel_loop3A_147 : vector<1x16xf32> to vector<16xf32>
        %parallel_loop3A_149 = vector.shape_cast %parallel_loop3A_144 : vector<16xf32> to vector<1x16xf32>
        tpu.vector_store %arg6[%parallel_loop3A_145, %parallel_loop3A_146], %parallel_loop3A_149 {strides = array<i32>} : memref<224x512xf32, #tpu.memory_space<vmem>>, vector<1x16xf32>,
        %parallel_loop3A_150 = arith.index_cast %parallel_loop3A_89 : i32 to index
        %parallel_loop3A_151 = arith.constant 80 : index
        %parallel_loop3A_152 = tpu.vector_load %arg6[%parallel_loop3A_150, %parallel_loop3A_151] {strides = array<i32>} : memref<224x512xf32, #tpu.memory_space<vmem>>, vector<1x16xf32>,
        %parallel_loop3A_153 = vector.shape_cast %parallel_loop3A_152 : vector<1x16xf32> to vector<16xf32>
        %parallel_loop3A_154 = arith.constant 22.6274166 : f32
        %parallel_loop3A_155 = vector.broadcast %parallel_loop3A_154 : f32 to vector<16xf32>
        %parallel_loop3A_156 = arith.mulf %parallel_loop3A_153, %parallel_loop3A_155 : vector<16xf32>
        %parallel_loop3A_157 = arith.index_cast %parallel_loop3A_89 : i32 to index
        %parallel_loop3A_158 = arith.constant 80 : index
        %parallel_loop3A_159 = tpu.vector_load %arg6[%parallel_loop3A_157, %parallel_loop3A_158] {strides = array<i32>} : memref<224x512xf32, #tpu.memory_space<vmem>>, vector<1x16xf32>,
        %parallel_loop3A_160 = vector.shape_cast %parallel_loop3A_159 : vector<1x16xf32> to vector<16xf32>
        %parallel_loop3A_161 = vector.shape_cast %parallel_loop3A_156 : vector<16xf32> to vector<1x16xf32>
        tpu.vector_store %arg6[%parallel_loop3A_157, %parallel_loop3A_158], %parallel_loop3A_161 {strides = array<i32>} : memref<224x512xf32, #tpu.memory_space<vmem>>, vector<1x16xf32>,
        %parallel_loop3A_162 = arith.index_cast %parallel_loop3A_89 : i32 to index
        %parallel_loop3A_163 = arith.constant 96 : index
        %parallel_loop3A_164 = tpu.vector_load %arg6[%parallel_loop3A_162, %parallel_loop3A_163] {strides = array<i32>} : memref<224x512xf32, #tpu.memory_space<vmem>>, vector<1x16xf32>,
        %parallel_loop3A_165 = vector.shape_cast %parallel_loop3A_164 : vector<1x16xf32> to vector<16xf32>
        %parallel_loop3A_166 = arith.constant 22.6274166 : f32
        %parallel_loop3A_167 = vector.broadcast %parallel_loop3A_166 : f32 to vector<16xf32>
        %parallel_loop3A_168 = arith.mulf %parallel_loop3A_165, %parallel_loop3A_167 : vector<16xf32>
        %parallel_loop3A_169 = arith.index_cast %parallel_loop3A_89 : i32 to index
        %parallel_loop3A_170 = arith.constant 96 : index
        %parallel_loop3A_171 = tpu.vector_load %arg6[%parallel_loop3A_169, %parallel_loop3A_170] {strides = array<i32>} : memref<224x512xf32, #tpu.memory_space<vmem>>, vector<1x16xf32>,
        %parallel_loop3A_172 = vector.shape_cast %parallel_loop3A_171 : vector<1x16xf32> to vector<16xf32>
        %parallel_loop3A_173 = vector.shape_cast %parallel_loop3A_168 : vector<16xf32> to vector<1x16xf32>
        tpu.vector_store %arg6[%parallel_loop3A_169, %parallel_loop3A_170], %parallel_loop3A_173 {strides = array<i32>} : memref<224x512xf32, #tpu.memory_space<vmem>>, vector<1x16xf32>,
        %parallel_loop3A_174 = arith.index_cast %parallel_loop3A_89 : i32 to index
        %parallel_loop3A_175 = arith.constant 112 : index
        %parallel_loop3A_176 = tpu.vector_load %arg6[%parallel_loop3A_174, %parallel_loop3A_175] {strides = array<i32>} : memref<224x512xf32, #tpu.memory_space<vmem>>, vector<1x16xf32>,
        %parallel_loop3A_177 = vector.shape_cast %parallel_loop3A_176 : vector<1x16xf32> to vector<16xf32>
        %parallel_loop3A_178 = arith.constant 22.6274166 : f32
        %parallel_loop3A_179 = vector.broadcast %parallel_loop3A_178 : f32 to vector<16xf32>
        %parallel_loop3A_180 = arith.mulf %parallel_loop3A_177, %parallel_loop3A_179 : vector<16xf32>
        %parallel_loop3A_181 = arith.index_cast %parallel_loop3A_89 : i32 to index
        %parallel_loop3A_182 = arith.constant 112 : index
        %parallel_loop3A_183 = tpu.vector_load %arg6[%parallel_loop3A_181, %parallel_loop3A_182] {strides = array<i32>} : memref<224x512xf32, #tpu.memory_space<vmem>>, vector<1x16xf32>,
        %parallel_loop3A_184 = vector.shape_cast %parallel_loop3A_183 : vector<1x16xf32> to vector<16xf32>
        %parallel_loop3A_185 = vector.shape_cast %parallel_loop3A_180 : vector<16xf32> to vector<1x16xf32>
        tpu.vector_store %arg6[%parallel_loop3A_181, %parallel_loop3A_182], %parallel_loop3A_185 {strides = array<i32>} : memref<224x512xf32, #tpu.memory_space<vmem>>, vector<1x16xf32>,
        %parallel_loop3A_186 = arith.index_cast %parallel_loop3A_89 : i32 to index
        %parallel_loop3A_187 = arith.constant 128 : index
        %parallel_loop3A_188 = tpu.vector_load %arg6[%parallel_loop3A_186, %parallel_loop3A_187] {strides = array<i32>} : memref<224x512xf32, #tpu.memory_space<vmem>>, vector<1x16xf32>,
        %parallel_loop3A_189 = vector.shape_cast %parallel_loop3A_188 : vector<1x16xf32> to vector<16xf32>
        %parallel_loop3A_190 = arith.constant 22.6274166 : f32
        %parallel_loop3A_191 = vector.broadcast %parallel_loop3A_190 : f32 to vector<16xf32>
        %parallel_loop3A_192 = arith.mulf %parallel_loop3A_189, %parallel_loop3A_191 : vector<16xf32>
        %parallel_loop3A_193 = arith.index_cast %parallel_loop3A_89 : i32 to index
        %parallel_loop3A_194 = arith.constant 128 : index
        %parallel_loop3A_195 = tpu.vector_load %arg6[%parallel_loop3A_193, %parallel_loop3A_194] {strides = array<i32>} : memref<224x512xf32, #tpu.memory_space<vmem>>, vector<1x16xf32>,
        %parallel_loop3A_196 = vector.shape_cast %parallel_loop3A_195 : vector<1x16xf32> to vector<16xf32>
        %parallel_loop3A_197 = vector.shape_cast %parallel_loop3A_192 : vector<16xf32> to vector<1x16xf32>
        tpu.vector_store %arg6[%parallel_loop3A_193, %parallel_loop3A_194], %parallel_loop3A_197 {strides = array<i32>} : memref<224x512xf32, #tpu.memory_space<vmem>>, vector<1x16xf32>,
        %parallel_loop3A_198 = arith.index_cast %parallel_loop3A_89 : i32 to index
        %parallel_loop3A_199 = arith.constant 144 : index
        %parallel_loop3A_200 = tpu.vector_load %arg6[%parallel_loop3A_198, %parallel_loop3A_199] {strides = array<i32>} : memref<224x512xf32, #tpu.memory_space<vmem>>, vector<1x16xf32>,
        %parallel_loop3A_201 = vector.shape_cast %parallel_loop3A_200 : vector<1x16xf32> to vector<16xf32>
        %parallel_loop3A_202 = arith.constant 22.6274166 : f32
        %parallel_loop3A_203 = vector.broadcast %parallel_loop3A_202 : f32 to vector<16xf32>
        %parallel_loop3A_204 = arith.mulf %parallel_loop3A_201, %parallel_loop3A_203 : vector<16xf32>
        %parallel_loop3A_205 = arith.index_cast %parallel_loop3A_89 : i32 to index
        %parallel_loop3A_206 = arith.constant 144 : index
        %parallel_loop3A_207 = tpu.vector_load %arg6[%parallel_loop3A_205, %parallel_loop3A_206] {strides = array<i32>} : memref<224x512xf32, #tpu.memory_space<vmem>>, vector<1x16xf32>,
        %parallel_loop3A_208 = vector.shape_cast %parallel_loop3A_207 : vector<1x16xf32> to vector<16xf32>
        %parallel_loop3A_209 = vector.shape_cast %parallel_loop3A_204 : vector<16xf32> to vector<1x16xf32>
        tpu.vector_store %arg6[%parallel_loop3A_205, %parallel_loop3A_206], %parallel_loop3A_209 {strides = array<i32>} : memref<224x512xf32, #tpu.memory_space<vmem>>, vector<1x16xf32>,
        %parallel_loop3A_210 = arith.index_cast %parallel_loop3A_89 : i32 to index
        %parallel_loop3A_211 = arith.constant 160 : index
        %parallel_loop3A_212 = tpu.vector_load %arg6[%parallel_loop3A_210, %parallel_loop3A_211] {strides = array<i32>} : memref<224x512xf32, #tpu.memory_space<vmem>>, vector<1x16xf32>,
        %parallel_loop3A_213 = vector.shape_cast %parallel_loop3A_212 : vector<1x16xf32> to vector<16xf32>
        %parallel_loop3A_214 = arith.constant 22.6274166 : f32
        %parallel_loop3A_215 = vector.broadcast %parallel_loop3A_214 : f32 to vector<16xf32>
        %parallel_loop3A_216 = arith.mulf %parallel_loop3A_213, %parallel_loop3A_215 : vector<16xf32>
        %parallel_loop3A_217 = arith.index_cast %parallel_loop3A_89 : i32 to index
        %parallel_loop3A_218 = arith.constant 160 : index
        %parallel_loop3A_219 = tpu.vector_load %arg6[%parallel_loop3A_217, %parallel_loop3A_218] {strides = array<i32>} : memref<224x512xf32, #tpu.memory_space<vmem>>, vector<1x16xf32>,
        %parallel_loop3A_220 = vector.shape_cast %parallel_loop3A_219 : vector<1x16xf32> to vector<16xf32>
        %parallel_loop3A_221 = vector.shape_cast %parallel_loop3A_216 : vector<16xf32> to vector<1x16xf32>
        tpu.vector_store %arg6[%parallel_loop3A_217, %parallel_loop3A_218], %parallel_loop3A_221 {strides = array<i32>} : memref<224x512xf32, #tpu.memory_space<vmem>>, vector<1x16xf32>,
        %parallel_loop3A_222 = arith.index_cast %parallel_loop3A_89 : i32 to index
        %parallel_loop3A_223 = arith.constant 176 : index
        %parallel_loop3A_224 = tpu.vector_load %arg6[%parallel_loop3A_222, %parallel_loop3A_223] {strides = array<i32>} : memref<224x512xf32, #tpu.memory_space<vmem>>, vector<1x16xf32>,
        %parallel_loop3A_225 = vector.shape_cast %parallel_loop3A_224 : vector<1x16xf32> to vector<16xf32>
        %parallel_loop3A_226 = arith.constant 22.6274166 : f32
        %parallel_loop3A_227 = vector.broadcast %parallel_loop3A_226 : f32 to vector<16xf32>
        %parallel_loop3A_228 = arith.mulf %parallel_loop3A_225, %parallel_loop3A_227 : vector<16xf32>
        %parallel_loop3A_229 = arith.index_cast %parallel_loop3A_89 : i32 to index
        %parallel_loop3A_230 = arith.constant 176 : index
        %parallel_loop3A_231 = tpu.vector_load %arg6[%parallel_loop3A_229, %parallel_loop3A_230] {strides = array<i32>} : memref<224x512xf32, #tpu.memory_space<vmem>>, vector<1x16xf32>,
        %parallel_loop3A_232 = vector.shape_cast %parallel_loop3A_231 : vector<1x16xf32> to vector<16xf32>
        %parallel_loop3A_233 = vector.shape_cast %parallel_loop3A_228 : vector<16xf32> to vector<1x16xf32>
        tpu.vector_store %arg6[%parallel_loop3A_229, %parallel_loop3A_230], %parallel_loop3A_233 {strides = array<i32>} : memref<224x512xf32, #tpu.memory_space<vmem>>, vector<1x16xf32>,
        %parallel_loop3A_234 = arith.index_cast %parallel_loop3A_89 : i32 to index
        %parallel_loop3A_235 = arith.constant 192 : index
        %parallel_loop3A_236 = tpu.vector_load %arg6[%parallel_loop3A_234, %parallel_loop3A_235] {strides = array<i32>} : memref<224x512xf32, #tpu.memory_space<vmem>>, vector<1x16xf32>,
        %parallel_loop3A_237 = vector.shape_cast %parallel_loop3A_236 : vector<1x16xf32> to vector<16xf32>
        %parallel_loop3A_238 = arith.constant 22.6274166 : f32
        %parallel_loop3A_239 = vector.broadcast %parallel_loop3A_238 : f32 to vector<16xf32>
        %parallel_loop3A_240 = arith.mulf %parallel_loop3A_237, %parallel_loop3A_239 : vector<16xf32>
        %parallel_loop3A_241 = arith.index_cast %parallel_loop3A_89 : i32 to index
        %parallel_loop3A_242 = arith.constant 192 : index
        %parallel_loop3A_243 = tpu.vector_load %arg6[%parallel_loop3A_241, %parallel_loop3A_242] {strides = array<i32>} : memref<224x512xf32, #tpu.memory_space<vmem>>, vector<1x16xf32>,
        %parallel_loop3A_244 = vector.shape_cast %parallel_loop3A_243 : vector<1x16xf32> to vector<16xf32>
        %parallel_loop3A_245 = vector.shape_cast %parallel_loop3A_240 : vector<16xf32> to vector<1x16xf32>
        tpu.vector_store %arg6[%parallel_loop3A_241, %parallel_loop3A_242], %parallel_loop3A_245 {strides = array<i32>} : memref<224x512xf32, #tpu.memory_space<vmem>>, vector<1x16xf32>,
        %parallel_loop3A_246 = arith.index_cast %parallel_loop3A_89 : i32 to index
        %parallel_loop3A_247 = arith.constant 208 : index
        %parallel_loop3A_248 = tpu.vector_load %arg6[%parallel_loop3A_246, %parallel_loop3A_247] {strides = array<i32>} : memref<224x512xf32, #tpu.memory_space<vmem>>, vector<1x16xf32>,
        %parallel_loop3A_249 = vector.shape_cast %parallel_loop3A_248 : vector<1x16xf32> to vector<16xf32>
        %parallel_loop3A_250 = arith.constant 22.6274166 : f32
        %parallel_loop3A_251 = vector.broadcast %parallel_loop3A_250 : f32 to vector<16xf32>
        %parallel_loop3A_252 = arith.mulf %parallel_loop3A_249, %parallel_loop3A_251 : vector<16xf32>
        %parallel_loop3A_253 = arith.index_cast %parallel_loop3A_89 : i32 to index
        %parallel_loop3A_254 = arith.constant 208 : index
        %parallel_loop3A_255 = tpu.vector_load %arg6[%parallel_loop3A_253, %parallel_loop3A_254] {strides = array<i32>} : memref<224x512xf32, #tpu.memory_space<vmem>>, vector<1x16xf32>,
        %parallel_loop3A_256 = vector.shape_cast %parallel_loop3A_255 : vector<1x16xf32> to vector<16xf32>
        %parallel_loop3A_257 = vector.shape_cast %parallel_loop3A_252 : vector<16xf32> to vector<1x16xf32>
        tpu.vector_store %arg6[%parallel_loop3A_253, %parallel_loop3A_254], %parallel_loop3A_257 {strides = array<i32>} : memref<224x512xf32, #tpu.memory_space<vmem>>, vector<1x16xf32>,
        %parallel_loop3A_258 = arith.index_cast %parallel_loop3A_89 : i32 to index
        %parallel_loop3A_259 = arith.constant 224 : index
        %parallel_loop3A_260 = tpu.vector_load %arg6[%parallel_loop3A_258, %parallel_loop3A_259] {strides = array<i32>} : memref<224x512xf32, #tpu.memory_space<vmem>>, vector<1x16xf32>,
        %parallel_loop3A_261 = vector.shape_cast %parallel_loop3A_260 : vector<1x16xf32> to vector<16xf32>
        %parallel_loop3A_262 = arith.constant 22.6274166 : f32
        %parallel_loop3A_263 = vector.broadcast %parallel_loop3A_262 : f32 to vector<16xf32>
        %parallel_loop3A_264 = arith.mulf %parallel_loop3A_261, %parallel_loop3A_263 : vector<16xf32>
        %parallel_loop3A_265 = arith.index_cast %parallel_loop3A_89 : i32 to index
        %parallel_loop3A_266 = arith.constant 224 : index
        %parallel_loop3A_267 = tpu.vector_load %arg6[%parallel_loop3A_265, %parallel_loop3A_266] {strides = array<i32>} : memref<224x512xf32, #tpu.memory_space<vmem>>, vector<1x16xf32>,
        %parallel_loop3A_268 = vector.shape_cast %parallel_loop3A_267 : vector<1x16xf32> to vector<16xf32>
        %parallel_loop3A_269 = vector.shape_cast %parallel_loop3A_264 : vector<16xf32> to vector<1x16xf32>
        tpu.vector_store %arg6[%parallel_loop3A_265, %parallel_loop3A_266], %parallel_loop3A_269 {strides = array<i32>} : memref<224x512xf32, #tpu.memory_space<vmem>>, vector<1x16xf32>,
        %parallel_loop3A_270 = arith.index_cast %parallel_loop3A_89 : i32 to index
        %parallel_loop3A_271 = arith.constant 240 : index
        %parallel_loop3A_272 = tpu.vector_load %arg6[%parallel_loop3A_270, %parallel_loop3A_271] {strides = array<i32>} : memref<224x512xf32, #tpu.memory_space<vmem>>, vector<1x16xf32>,
        %parallel_loop3A_273 = vector.shape_cast %parallel_loop3A_272 : vector<1x16xf32> to vector<16xf32>
        %parallel_loop3A_274 = arith.constant 22.6274166 : f32
        %parallel_loop3A_275 = vector.broadcast %parallel_loop3A_274 : f32 to vector<16xf32>
        %parallel_loop3A_276 = arith.mulf %parallel_loop3A_273, %parallel_loop3A_275 : vector<16xf32>
        %parallel_loop3A_277 = arith.index_cast %parallel_loop3A_89 : i32 to index
        %parallel_loop3A_278 = arith.constant 240 : index
        %parallel_loop3A_279 = tpu.vector_load %arg6[%parallel_loop3A_277, %parallel_loop3A_278] {strides = array<i32>} : memref<224x512xf32, #tpu.memory_space<vmem>>, vector<1x16xf32>,
        %parallel_loop3A_280 = vector.shape_cast %parallel_loop3A_279 : vector<1x16xf32> to vector<16xf32>
        %parallel_loop3A_281 = vector.shape_cast %parallel_loop3A_276 : vector<16xf32> to vector<1x16xf32>
        tpu.vector_store %arg6[%parallel_loop3A_277, %parallel_loop3A_278], %parallel_loop3A_281 {strides = array<i32>} : memref<224x512xf32, #tpu.memory_space<vmem>>, vector<1x16xf32>,
        %parallel_loop3A_282 = arith.index_cast %parallel_loop3A_89 : i32 to index
        %parallel_loop3A_283 = arith.constant 256 : index
        %parallel_loop3A_284 = tpu.vector_load %arg6[%parallel_loop3A_282, %parallel_loop3A_283] {strides = array<i32>} : memref<224x512xf32, #tpu.memory_space<vmem>>, vector<1x16xf32>,
        %parallel_loop3A_285 = vector.shape_cast %parallel_loop3A_284 : vector<1x16xf32> to vector<16xf32>
        %parallel_loop3A_286 = arith.constant 22.6274166 : f32
        %parallel_loop3A_287 = vector.broadcast %parallel_loop3A_286 : f32 to vector<16xf32>
        %parallel_loop3A_288 = arith.mulf %parallel_loop3A_285, %parallel_loop3A_287 : vector<16xf32>
        %parallel_loop3A_289 = arith.index_cast %parallel_loop3A_89 : i32 to index
        %parallel_loop3A_290 = arith.constant 256 : index
        %parallel_loop3A_291 = tpu.vector_load %arg6[%parallel_loop3A_289, %parallel_loop3A_290] {strides = array<i32>} : memref<224x512xf32, #tpu.memory_space<vmem>>, vector<1x16xf32>,
        %parallel_loop3A_292 = vector.shape_cast %parallel_loop3A_291 : vector<1x16xf32> to vector<16xf32>
        %parallel_loop3A_293 = vector.shape_cast %parallel_loop3A_288 : vector<16xf32> to vector<1x16xf32>
        tpu.vector_store %arg6[%parallel_loop3A_289, %parallel_loop3A_290], %parallel_loop3A_293 {strides = array<i32>} : memref<224x512xf32, #tpu.memory_space<vmem>>, vector<1x16xf32>,
        %parallel_loop3A_294 = arith.index_cast %parallel_loop3A_89 : i32 to index
        %parallel_loop3A_295 = arith.constant 272 : index
        %parallel_loop3A_296 = tpu.vector_load %arg6[%parallel_loop3A_294, %parallel_loop3A_295] {strides = array<i32>} : memref<224x512xf32, #tpu.memory_space<vmem>>, vector<1x16xf32>,
        %parallel_loop3A_297 = vector.shape_cast %parallel_loop3A_296 : vector<1x16xf32> to vector<16xf32>
        %parallel_loop3A_298 = arith.constant 22.6274166 : f32
        %parallel_loop3A_299 = vector.broadcast %parallel_loop3A_298 : f32 to vector<16xf32>
        %parallel_loop3A_300 = arith.mulf %parallel_loop3A_297, %parallel_loop3A_299 : vector<16xf32>
        %parallel_loop3A_301 = arith.index_cast %parallel_loop3A_89 : i32 to index
        %parallel_loop3A_302 = arith.constant 272 : index
        %parallel_loop3A_303 = tpu.vector_load %arg6[%parallel_loop3A_301, %parallel_loop3A_302] {strides = array<i32>} : memref<224x512xf32, #tpu.memory_space<vmem>>, vector<1x16xf32>,
        %parallel_loop3A_304 = vector.shape_cast %parallel_loop3A_303 : vector<1x16xf32> to vector<16xf32>
        %parallel_loop3A_305 = vector.shape_cast %parallel_loop3A_300 : vector<16xf32> to vector<1x16xf32>
        tpu.vector_store %arg6[%parallel_loop3A_301, %parallel_loop3A_302], %parallel_loop3A_305 {strides = array<i32>} : memref<224x512xf32, #tpu.memory_space<vmem>>, vector<1x16xf32>,
        %parallel_loop3A_306 = arith.index_cast %parallel_loop3A_89 : i32 to index
        %parallel_loop3A_307 = arith.constant 288 : index
        %parallel_loop3A_308 = tpu.vector_load %arg6[%parallel_loop3A_306, %parallel_loop3A_307] {strides = array<i32>} : memref<224x512xf32, #tpu.memory_space<vmem>>, vector<1x16xf32>,
        %parallel_loop3A_309 = vector.shape_cast %parallel_loop3A_308 : vector<1x16xf32> to vector<16xf32>
        %parallel_loop3A_310 = arith.constant 22.6274166 : f32
        %parallel_loop3A_311 = vector.broadcast %parallel_loop3A_310 : f32 to vector<16xf32>
        %parallel_loop3A_312 = arith.mulf %parallel_loop3A_309, %parallel_loop3A_311 : vector<16xf32>
        %parallel_loop3A_313 = arith.index_cast %parallel_loop3A_89 : i32 to index
        %parallel_loop3A_314 = arith.constant 288 : index
        %parallel_loop3A_315 = tpu.vector_load %arg6[%parallel_loop3A_313, %parallel_loop3A_314] {strides = array<i32>} : memref<224x512xf32, #tpu.memory_space<vmem>>, vector<1x16xf32>,
        %parallel_loop3A_316 = vector.shape_cast %parallel_loop3A_315 : vector<1x16xf32> to vector<16xf32>
        %parallel_loop3A_317 = vector.shape_cast %parallel_loop3A_312 : vector<16xf32> to vector<1x16xf32>
        tpu.vector_store %arg6[%parallel_loop3A_313, %parallel_loop3A_314], %parallel_loop3A_317 {strides = array<i32>} : memref<224x512xf32, #tpu.memory_space<vmem>>, vector<1x16xf32>,
        %parallel_loop3A_318 = arith.index_cast %parallel_loop3A_89 : i32 to index
        %parallel_loop3A_319 = arith.constant 304 : index
        %parallel_loop3A_320 = tpu.vector_load %arg6[%parallel_loop3A_318, %parallel_loop3A_319] {strides = array<i32>} : memref<224x512xf32, #tpu.memory_space<vmem>>, vector<1x16xf32>,
        %parallel_loop3A_321 = vector.shape_cast %parallel_loop3A_320 : vector<1x16xf32> to vector<16xf32>
        %parallel_loop3A_322 = arith.constant 22.6274166 : f32
        %parallel_loop3A_323 = vector.broadcast %parallel_loop3A_322 : f32 to vector<16xf32>
        %parallel_loop3A_324 = arith.mulf %parallel_loop3A_321, %parallel_loop3A_323 : vector<16xf32>
        %parallel_loop3A_325 = arith.index_cast %parallel_loop3A_89 : i32 to index
        %parallel_loop3A_326 = arith.constant 304 : index
        %parallel_loop3A_327 = tpu.vector_load %arg6[%parallel_loop3A_325, %parallel_loop3A_326] {strides = array<i32>} : memref<224x512xf32, #tpu.memory_space<vmem>>, vector<1x16xf32>,
        %parallel_loop3A_328 = vector.shape_cast %parallel_loop3A_327 : vector<1x16xf32> to vector<16xf32>
        %parallel_loop3A_329 = vector.shape_cast %parallel_loop3A_324 : vector<16xf32> to vector<1x16xf32>
        tpu.vector_store %arg6[%parallel_loop3A_325, %parallel_loop3A_326], %parallel_loop3A_329 {strides = array<i32>} : memref<224x512xf32, #tpu.memory_space<vmem>>, vector<1x16xf32>,
        %parallel_loop3A_330 = arith.index_cast %parallel_loop3A_89 : i32 to index
        %parallel_loop3A_331 = arith.constant 320 : index
        %parallel_loop3A_332 = tpu.vector_load %arg6[%parallel_loop3A_330, %parallel_loop3A_331] {strides = array<i32>} : memref<224x512xf32, #tpu.memory_space<vmem>>, vector<1x16xf32>,
        %parallel_loop3A_333 = vector.shape_cast %parallel_loop3A_332 : vector<1x16xf32> to vector<16xf32>
        %parallel_loop3A_334 = arith.constant 22.6274166 : f32
        %parallel_loop3A_335 = vector.broadcast %parallel_loop3A_334 : f32 to vector<16xf32>
        %parallel_loop3A_336 = arith.mulf %parallel_loop3A_333, %parallel_loop3A_335 : vector<16xf32>
        %parallel_loop3A_337 = arith.index_cast %parallel_loop3A_89 : i32 to index
        %parallel_loop3A_338 = arith.constant 320 : index
        %parallel_loop3A_339 = tpu.vector_load %arg6[%parallel_loop3A_337, %parallel_loop3A_338] {strides = array<i32>} : memref<224x512xf32, #tpu.memory_space<vmem>>, vector<1x16xf32>,
        %parallel_loop3A_340 = vector.shape_cast %parallel_loop3A_339 : vector<1x16xf32> to vector<16xf32>
        %parallel_loop3A_341 = vector.shape_cast %parallel_loop3A_336 : vector<16xf32> to vector<1x16xf32>
        tpu.vector_store %arg6[%parallel_loop3A_337, %parallel_loop3A_338], %parallel_loop3A_341 {strides = array<i32>} : memref<224x512xf32, #tpu.memory_space<vmem>>, vector<1x16xf32>,
        %parallel_loop3A_342 = arith.index_cast %parallel_loop3A_89 : i32 to index
        %parallel_loop3A_343 = arith.constant 336 : index
        %parallel_loop3A_344 = tpu.vector_load %arg6[%parallel_loop3A_342, %parallel_loop3A_343] {strides = array<i32>} : memref<224x512xf32, #tpu.memory_space<vmem>>, vector<1x16xf32>,
        %parallel_loop3A_345 = vector.shape_cast %parallel_loop3A_344 : vector<1x16xf32> to vector<16xf32>
        %parallel_loop3A_346 = arith.constant 22.6274166 : f32
        %parallel_loop3A_347 = vector.broadcast %parallel_loop3A_346 : f32 to vector<16xf32>
        %parallel_loop3A_348 = arith.mulf %parallel_loop3A_345, %parallel_loop3A_347 : vector<16xf32>
        %parallel_loop3A_349 = arith.index_cast %parallel_loop3A_89 : i32 to index
        %parallel_loop3A_350 = arith.constant 336 : index
        %parallel_loop3A_351 = tpu.vector_load %arg6[%parallel_loop3A_349, %parallel_loop3A_350] {strides = array<i32>} : memref<224x512xf32, #tpu.memory_space<vmem>>, vector<1x16xf32>,
        %parallel_loop3A_352 = vector.shape_cast %parallel_loop3A_351 : vector<1x16xf32> to vector<16xf32>
        %parallel_loop3A_353 = vector.shape_cast %parallel_loop3A_348 : vector<16xf32> to vector<1x16xf32>
        tpu.vector_store %arg6[%parallel_loop3A_349, %parallel_loop3A_350], %parallel_loop3A_353 {strides = array<i32>} : memref<224x512xf32, #tpu.memory_space<vmem>>, vector<1x16xf32>,
        %parallel_loop3A_354 = arith.index_cast %parallel_loop3A_89 : i32 to index
        %parallel_loop3A_355 = arith.constant 352 : index
        %parallel_loop3A_356 = tpu.vector_load %arg6[%parallel_loop3A_354, %parallel_loop3A_355] {strides = array<i32>} : memref<224x512xf32, #tpu.memory_space<vmem>>, vector<1x16xf32>,
        %parallel_loop3A_357 = vector.shape_cast %parallel_loop3A_356 : vector<1x16xf32> to vector<16xf32>
        %parallel_loop3A_358 = arith.constant 22.6274166 : f32
        %parallel_loop3A_359 = vector.broadcast %parallel_loop3A_358 : f32 to vector<16xf32>
        %parallel_loop3A_360 = arith.mulf %parallel_loop3A_357, %parallel_loop3A_359 : vector<16xf32>
        %parallel_loop3A_361 = arith.index_cast %parallel_loop3A_89 : i32 to index
        %parallel_loop3A_362 = arith.constant 352 : index
        %parallel_loop3A_363 = tpu.vector_load %arg6[%parallel_loop3A_361, %parallel_loop3A_362] {strides = array<i32>} : memref<224x512xf32, #tpu.memory_space<vmem>>, vector<1x16xf32>,
        %parallel_loop3A_364 = vector.shape_cast %parallel_loop3A_363 : vector<1x16xf32> to vector<16xf32>
        %parallel_loop3A_365 = vector.shape_cast %parallel_loop3A_360 : vector<16xf32> to vector<1x16xf32>
        tpu.vector_store %arg6[%parallel_loop3A_361, %parallel_loop3A_362], %parallel_loop3A_365 {strides = array<i32>} : memref<224x512xf32, #tpu.memory_space<vmem>>, vector<1x16xf32>,
        %parallel_loop3A_366 = arith.index_cast %parallel_loop3A_89 : i32 to index
        %parallel_loop3A_367 = arith.constant 368 : index
        %parallel_loop3A_368 = tpu.vector_load %arg6[%parallel_loop3A_366, %parallel_loop3A_367] {strides = array<i32>} : memref<224x512xf32, #tpu.memory_space<vmem>>, vector<1x16xf32>,
        %parallel_loop3A_369 = vector.shape_cast %parallel_loop3A_368 : vector<1x16xf32> to vector<16xf32>
        %parallel_loop3A_370 = arith.constant 22.6274166 : f32
        %parallel_loop3A_371 = vector.broadcast %parallel_loop3A_370 : f32 to vector<16xf32>
        %parallel_loop3A_372 = arith.mulf %parallel_loop3A_369, %parallel_loop3A_371 : vector<16xf32>
        %parallel_loop3A_373 = arith.index_cast %parallel_loop3A_89 : i32 to index
        %parallel_loop3A_374 = arith.constant 368 : index
        %parallel_loop3A_375 = tpu.vector_load %arg6[%parallel_loop3A_373, %parallel_loop3A_374] {strides = array<i32>} : memref<224x512xf32, #tpu.memory_space<vmem>>, vector<1x16xf32>,
        %parallel_loop3A_376 = vector.shape_cast %parallel_loop3A_375 : vector<1x16xf32> to vector<16xf32>
        %parallel_loop3A_377 = vector.shape_cast %parallel_loop3A_372 : vector<16xf32> to vector<1x16xf32>
        tpu.vector_store %arg6[%parallel_loop3A_373, %parallel_loop3A_374], %parallel_loop3A_377 {strides = array<i32>} : memref<224x512xf32, #tpu.memory_space<vmem>>, vector<1x16xf32>,
        %parallel_loop3A_378 = arith.index_cast %parallel_loop3A_89 : i32 to index
        %parallel_loop3A_379 = arith.constant 384 : index
        %parallel_loop3A_380 = tpu.vector_load %arg6[%parallel_loop3A_378, %parallel_loop3A_379] {strides = array<i32>} : memref<224x512xf32, #tpu.memory_space<vmem>>, vector<1x16xf32>,
        %parallel_loop3A_381 = vector.shape_cast %parallel_loop3A_380 : vector<1x16xf32> to vector<16xf32>
        %parallel_loop3A_382 = arith.constant 22.6274166 : f32
        %parallel_loop3A_383 = vector.broadcast %parallel_loop3A_382 : f32 to vector<16xf32>
        %parallel_loop3A_384 = arith.mulf %parallel_loop3A_381, %parallel_loop3A_383 : vector<16xf32>
        %parallel_loop3A_385 = arith.index_cast %parallel_loop3A_89 : i32 to index
        %parallel_loop3A_386 = arith.constant 384 : index
        %parallel_loop3A_387 = tpu.vector_load %arg6[%parallel_loop3A_385, %parallel_loop3A_386] {strides = array<i32>} : memref<224x512xf32, #tpu.memory_space<vmem>>, vector<1x16xf32>,
        %parallel_loop3A_388 = vector.shape_cast %parallel_loop3A_387 : vector<1x16xf32> to vector<16xf32>
        %parallel_loop3A_389 = vector.shape_cast %parallel_loop3A_384 : vector<16xf32> to vector<1x16xf32>
        tpu.vector_store %arg6[%parallel_loop3A_385, %parallel_loop3A_386], %parallel_loop3A_389 {strides = array<i32>} : memref<224x512xf32, #tpu.memory_space<vmem>>, vector<1x16xf32>,
        %parallel_loop3A_390 = arith.index_cast %parallel_loop3A_89 : i32 to index
        %parallel_loop3A_391 = arith.constant 400 : index
        %parallel_loop3A_392 = tpu.vector_load %arg6[%parallel_loop3A_390, %parallel_loop3A_391] {strides = array<i32>} : memref<224x512xf32, #tpu.memory_space<vmem>>, vector<1x16xf32>,
        %parallel_loop3A_393 = vector.shape_cast %parallel_loop3A_392 : vector<1x16xf32> to vector<16xf32>
        %parallel_loop3A_394 = arith.constant 22.6274166 : f32
        %parallel_loop3A_395 = vector.broadcast %parallel_loop3A_394 : f32 to vector<16xf32>
        %parallel_loop3A_396 = arith.mulf %parallel_loop3A_393, %parallel_loop3A_395 : vector<16xf32>
        %parallel_loop3A_397 = arith.index_cast %parallel_loop3A_89 : i32 to index
        %parallel_loop3A_398 = arith.constant 400 : index
        %parallel_loop3A_399 = tpu.vector_load %arg6[%parallel_loop3A_397, %parallel_loop3A_398] {strides = array<i32>} : memref<224x512xf32, #tpu.memory_space<vmem>>, vector<1x16xf32>,
        %parallel_loop3A_400 = vector.shape_cast %parallel_loop3A_399 : vector<1x16xf32> to vector<16xf32>
        %parallel_loop3A_401 = vector.shape_cast %parallel_loop3A_396 : vector<16xf32> to vector<1x16xf32>
        tpu.vector_store %arg6[%parallel_loop3A_397, %parallel_loop3A_398], %parallel_loop3A_401 {strides = array<i32>} : memref<224x512xf32, #tpu.memory_space<vmem>>, vector<1x16xf32>,
        %parallel_loop3A_402 = arith.index_cast %parallel_loop3A_89 : i32 to index
        %parallel_loop3A_403 = arith.constant 416 : index
        %parallel_loop3A_404 = tpu.vector_load %arg6[%parallel_loop3A_402, %parallel_loop3A_403] {strides = array<i32>} : memref<224x512xf32, #tpu.memory_space<vmem>>, vector<1x16xf32>,
        %parallel_loop3A_405 = vector.shape_cast %parallel_loop3A_404 : vector<1x16xf32> to vector<16xf32>
        %parallel_loop3A_406 = arith.constant 22.6274166 : f32
        %parallel_loop3A_407 = vector.broadcast %parallel_loop3A_406 : f32 to vector<16xf32>
        %parallel_loop3A_408 = arith.mulf %parallel_loop3A_405, %parallel_loop3A_407 : vector<16xf32>
        %parallel_loop3A_409 = arith.index_cast %parallel_loop3A_89 : i32 to index
        %parallel_loop3A_410 = arith.constant 416 : index
        %parallel_loop3A_411 = tpu.vector_load %arg6[%parallel_loop3A_409, %parallel_loop3A_410] {strides = array<i32>} : memref<224x512xf32, #tpu.memory_space<vmem>>, vector<1x16xf32>,
        %parallel_loop3A_412 = vector.shape_cast %parallel_loop3A_411 : vector<1x16xf32> to vector<16xf32>
        %parallel_loop3A_413 = vector.shape_cast %parallel_loop3A_408 : vector<16xf32> to vector<1x16xf32>
        tpu.vector_store %arg6[%parallel_loop3A_409, %parallel_loop3A_410], %parallel_loop3A_413 {strides = array<i32>} : memref<224x512xf32, #tpu.memory_space<vmem>>, vector<1x16xf32>,
        %parallel_loop3A_414 = arith.index_cast %parallel_loop3A_89 : i32 to index
        %parallel_loop3A_415 = arith.constant 432 : index
        %parallel_loop3A_416 = tpu.vector_load %arg6[%parallel_loop3A_414, %parallel_loop3A_415] {strides = array<i32>} : memref<224x512xf32, #tpu.memory_space<vmem>>, vector<1x16xf32>,
        %parallel_loop3A_417 = vector.shape_cast %parallel_loop3A_416 : vector<1x16xf32> to vector<16xf32>
        %parallel_loop3A_418 = arith.constant 22.6274166 : f32
        %parallel_loop3A_419 = vector.broadcast %parallel_loop3A_418 : f32 to vector<16xf32>
        %parallel_loop3A_420 = arith.mulf %parallel_loop3A_417, %parallel_loop3A_419 : vector<16xf32>
        %parallel_loop3A_421 = arith.index_cast %parallel_loop3A_89 : i32 to index
        %parallel_loop3A_422 = arith.constant 432 : index
        %parallel_loop3A_423 = tpu.vector_load %arg6[%parallel_loop3A_421, %parallel_loop3A_422] {strides = array<i32>} : memref<224x512xf32, #tpu.memory_space<vmem>>, vector<1x16xf32>,
        %parallel_loop3A_424 = vector.shape_cast %parallel_loop3A_423 : vector<1x16xf32> to vector<16xf32>
        %parallel_loop3A_425 = vector.shape_cast %parallel_loop3A_420 : vector<16xf32> to vector<1x16xf32>
        tpu.vector_store %arg6[%parallel_loop3A_421, %parallel_loop3A_422], %parallel_loop3A_425 {strides = array<i32>} : memref<224x512xf32, #tpu.memory_space<vmem>>, vector<1x16xf32>,
        %parallel_loop3A_426 = arith.index_cast %parallel_loop3A_89 : i32 to index
        %parallel_loop3A_427 = arith.constant 448 : index
        %parallel_loop3A_428 = tpu.vector_load %arg6[%parallel_loop3A_426, %parallel_loop3A_427] {strides = array<i32>} : memref<224x512xf32, #tpu.memory_space<vmem>>, vector<1x16xf32>,
        %parallel_loop3A_429 = vector.shape_cast %parallel_loop3A_428 : vector<1x16xf32> to vector<16xf32>
        %parallel_loop3A_430 = arith.constant 22.6274166 : f32
        %parallel_loop3A_431 = vector.broadcast %parallel_loop3A_430 : f32 to vector<16xf32>
        %parallel_loop3A_432 = arith.mulf %parallel_loop3A_429, %parallel_loop3A_431 : vector<16xf32>
        %parallel_loop3A_433 = arith.index_cast %parallel_loop3A_89 : i32 to index
        %parallel_loop3A_434 = arith.constant 448 : index
        %parallel_loop3A_435 = tpu.vector_load %arg6[%parallel_loop3A_433, %parallel_loop3A_434] {strides = array<i32>} : memref<224x512xf32, #tpu.memory_space<vmem>>, vector<1x16xf32>,
        %parallel_loop3A_436 = vector.shape_cast %parallel_loop3A_435 : vector<1x16xf32> to vector<16xf32>
        %parallel_loop3A_437 = vector.shape_cast %parallel_loop3A_432 : vector<16xf32> to vector<1x16xf32>
        tpu.vector_store %arg6[%parallel_loop3A_433, %parallel_loop3A_434], %parallel_loop3A_437 {strides = array<i32>} : memref<224x512xf32, #tpu.memory_space<vmem>>, vector<1x16xf32>,
        %parallel_loop3A_438 = arith.index_cast %parallel_loop3A_89 : i32 to index
        %parallel_loop3A_439 = arith.constant 464 : index
        %parallel_loop3A_440 = tpu.vector_load %arg6[%parallel_loop3A_438, %parallel_loop3A_439] {strides = array<i32>} : memref<224x512xf32, #tpu.memory_space<vmem>>, vector<1x16xf32>,
        %parallel_loop3A_441 = vector.shape_cast %parallel_loop3A_440 : vector<1x16xf32> to vector<16xf32>
        %parallel_loop3A_442 = arith.constant 22.6274166 : f32
        %parallel_loop3A_443 = vector.broadcast %parallel_loop3A_442 : f32 to vector<16xf32>
        %parallel_loop3A_444 = arith.mulf %parallel_loop3A_441, %parallel_loop3A_443 : vector<16xf32>
        %parallel_loop3A_445 = arith.index_cast %parallel_loop3A_89 : i32 to index
        %parallel_loop3A_446 = arith.constant 464 : index
        %parallel_loop3A_447 = tpu.vector_load %arg6[%parallel_loop3A_445, %parallel_loop3A_446] {strides = array<i32>} : memref<224x512xf32, #tpu.memory_space<vmem>>, vector<1x16xf32>,
        %parallel_loop3A_448 = vector.shape_cast %parallel_loop3A_447 : vector<1x16xf32> to vector<16xf32>
        %parallel_loop3A_449 = vector.shape_cast %parallel_loop3A_444 : vector<16xf32> to vector<1x16xf32>
        tpu.vector_store %arg6[%parallel_loop3A_445, %parallel_loop3A_446], %parallel_loop3A_449 {strides = array<i32>} : memref<224x512xf32, #tpu.memory_space<vmem>>, vector<1x16xf32>,
        %parallel_loop3A_450 = arith.index_cast %parallel_loop3A_89 : i32 to index
        %parallel_loop3A_451 = arith.constant 480 : index
        %parallel_loop3A_452 = tpu.vector_load %arg6[%parallel_loop3A_450, %parallel_loop3A_451] {strides = array<i32>} : memref<224x512xf32, #tpu.memory_space<vmem>>, vector<1x16xf32>,
        %parallel_loop3A_453 = vector.shape_cast %parallel_loop3A_452 : vector<1x16xf32> to vector<16xf32>
        %parallel_loop3A_454 = arith.constant 22.6274166 : f32
        %parallel_loop3A_455 = vector.broadcast %parallel_loop3A_454 : f32 to vector<16xf32>
        %parallel_loop3A_456 = arith.mulf %parallel_loop3A_453, %parallel_loop3A_455 : vector<16xf32>
        %parallel_loop3A_457 = arith.index_cast %parallel_loop3A_89 : i32 to index
        %parallel_loop3A_458 = arith.constant 480 : index
        %parallel_loop3A_459 = tpu.vector_load %arg6[%parallel_loop3A_457, %parallel_loop3A_458] {strides = array<i32>} : memref<224x512xf32, #tpu.memory_space<vmem>>, vector<1x16xf32>,
        %parallel_loop3A_460 = vector.shape_cast %parallel_loop3A_459 : vector<1x16xf32> to vector<16xf32>
        %parallel_loop3A_461 = vector.shape_cast %parallel_loop3A_456 : vector<16xf32> to vector<1x16xf32>
        tpu.vector_store %arg6[%parallel_loop3A_457, %parallel_loop3A_458], %parallel_loop3A_461 {strides = array<i32>} : memref<224x512xf32, #tpu.memory_space<vmem>>, vector<1x16xf32>,
        %parallel_loop3A_462 = arith.index_cast %parallel_loop3A_89 : i32 to index
        %parallel_loop3A_463 = arith.constant 496 : index
        %parallel_loop3A_464 = tpu.vector_load %arg6[%parallel_loop3A_462, %parallel_loop3A_463] {strides = array<i32>} : memref<224x512xf32, #tpu.memory_space<vmem>>, vector<1x16xf32>,
        %parallel_loop3A_465 = vector.shape_cast %parallel_loop3A_464 : vector<1x16xf32> to vector<16xf32>
        %parallel_loop3A_466 = arith.constant 22.6274166 : f32
        %parallel_loop3A_467 = vector.broadcast %parallel_loop3A_466 : f32 to vector<16xf32>
        %parallel_loop3A_468 = arith.mulf %parallel_loop3A_465, %parallel_loop3A_467 : vector<16xf32>
        %parallel_loop3A_469 = arith.index_cast %parallel_loop3A_89 : i32 to index
        %parallel_loop3A_470 = arith.constant 496 : index
        %parallel_loop3A_471 = tpu.vector_load %arg6[%parallel_loop3A_469, %parallel_loop3A_470] {strides = array<i32>} : memref<224x512xf32, #tpu.memory_space<vmem>>, vector<1x16xf32>,
        %parallel_loop3A_472 = vector.shape_cast %parallel_loop3A_471 : vector<1x16xf32> to vector<16xf32>
        %parallel_loop3A_473 = vector.shape_cast %parallel_loop3A_468 : vector<16xf32> to vector<1x16xf32>
        tpu.vector_store %arg6[%parallel_loop3A_469, %parallel_loop3A_470], %parallel_loop3A_473 {strides = array<i32>} : memref<224x512xf32, #tpu.memory_space<vmem>>, vector<1x16xf32>,
      } {sc.loop_unroll_factor = 2 : i64, sc.parallel_access}
      %mul3A_65 = arith.constant 32 : i32
      %mul3A_66 = arith.muli %rem3A_51, %mul3A_65 : i32
      %mul3A_67 = arith.constant 32 : i32
      %mul3A_68 = arith.muli %scan3A_49, %mul3A_67 : i32
      %add3A_69 = arith.addi %mul3A_2, %mul3A_68 : i32
      %dma_start3A = arith.constant 0 : i32
      %dma_start3A_70 = tpu.memref_slice %arg6[%mul3A_66, %dma_start3A] : memref<224x512xf32, #tpu.memory_space<vmem>> -> memref<32x512xf32, #tpu.memory_space<vmem>>
      %dma_start3A_71 = arith.constant 0 : i32
      %dma_start3A_72 = tpu.memref_slice %arg4[%add3A_69, %dma_start3A_71] : memref<16384x512xf32, #tpu.memory_space<hbm>> -> memref<32x512xf32, #tpu.memory_space<hbm>>
      %dma_start3A_73 = tpu.memref_slice %arg8[%rem3A_51] : memref<7x!tpu.dma_semaphore, #tpu.memory_space<semaphore_mem>> -> memref<1x!tpu.dma_semaphore, #tpu.memory_space<semaphore_mem>>
      %dma_start3A_74 = tpu.memref_squeeze %dma_start3A_73 : memref<1x!tpu.dma_semaphore, #tpu.memory_space<semaphore_mem>> -> memref<!tpu.dma_semaphore, #tpu.memory_space<semaphore_mem>>
      %dma_start3A_75 = arith.constant 0 : i32
      %dma_start3A_76 = tpu.memref_slice %arg4[%add3A_69, %dma_start3A_75] : memref<16384x512xf32, #tpu.memory_space<hbm>> -> memref<32x512xf32, #tpu.memory_space<hbm>>
      %dma_start3A_77 = arith.constant 0 : i32
      %dma_start3A_78 = tpu.memref_slice %arg6[%mul3A_66, %dma_start3A_77] : memref<224x512xf32, #tpu.memory_space<vmem>> -> memref<32x512xf32, #tpu.memory_space<vmem>>
      tpu.enqueue_dma source(%dma_start3A_78 : memref<32x512xf32, #tpu.memory_space<vmem>>) target(%dma_start3A_76 : memref<32x512xf32, #tpu.memory_space<hbm>>) target_semaphore(%dma_start3A_74 : memref<!tpu.dma_semaphore, #tpu.memory_space<semaphore_mem>>)
      %add3A_79 = arith.constant 7 : i32
      %add3A_80 = arith.addi %scan3A_49, %add3A_79 : i32
      %sub3A_81 = arith.constant 1 : i32
      %sub3A_82 = arith.subi %add3A_80, %sub3A_81 : i32
      %lt3A_83 = arith.constant 16 : i32
      %lt3A_84 = arith.cmpi slt, %sub3A_82, %lt3A_83 : i32
      %convert_element_type3A = arith.extui %lt3A_84 : i1 to i32
      %cond3A = arith.constant 0 : i32
      %cond3A_85 = arith.cmpi ne, %convert_element_type3A, %cond3A : i32
      scf.if %cond3A_85 {
        %ge3A = arith.constant 1 : i32
        %ge3A_86 = arith.cmpi sge, %scan3A_49, %ge3A : i32
        %convert_element_type3A_87 = arith.extui %ge3A_86 : i1 to i32
        %cond3A_88 = arith.constant 0 : i32
        %cond3A_89 = arith.cmpi ne, %convert_element_type3A_87, %cond3A_88 : i32
        scf.if %cond3A_89 {
          %sub3A_104 = arith.constant 1 : i32
          %sub3A_105 = arith.subi %scan3A_49, %sub3A_104 : i32
          %sub3A_106 = arith.constant 1 : i32
          %sub3A_107 = arith.subi %scan3A_49, %sub3A_106 : i32
          %rem3A_108 = arith.constant 7 : i32
          %rem3A_109 = arith.remsi %sub3A_107, %rem3A_108 : i32
          %mul3A_110 = arith.constant 32 : i32
          %mul3A_111 = arith.muli %rem3A_109, %mul3A_110 : i32
          %mul3A_112 = arith.constant 32 : i32
          %mul3A_113 = arith.muli %sub3A_105, %mul3A_112 : i32
          %add3A_114 = arith.addi %mul3A_2, %mul3A_113 : i32
          %dma_wait3A_115 = arith.constant 0 : i32
          %dma_wait3A_116 = tpu.memref_slice %arg6[%mul3A_111, %dma_wait3A_115] : memref<224x512xf32, #tpu.memory_space<vmem>> -> memref<32x512xf32, #tpu.memory_space<vmem>>
          %dma_wait3A_117 = arith.constant 0 : i32
          %dma_wait3A_118 = tpu.memref_slice %arg4[%add3A_114, %dma_wait3A_117] : memref<16384x512xf32, #tpu.memory_space<hbm>> -> memref<32x512xf32, #tpu.memory_space<hbm>>
          %dma_wait3A_119 = tpu.memref_slice %arg8[%rem3A_109] : memref<7x!tpu.dma_semaphore, #tpu.memory_space<semaphore_mem>> -> memref<1x!tpu.dma_semaphore, #tpu.memory_space<semaphore_mem>>
          %dma_wait3A_120 = tpu.memref_squeeze %dma_wait3A_119 : memref<1x!tpu.dma_semaphore, #tpu.memory_space<semaphore_mem>> -> memref<!tpu.dma_semaphore, #tpu.memory_space<semaphore_mem>>
          %dma_wait3A_121 = arith.constant 0 : i32
          %dma_wait3A_122 = tpu.memref_slice %arg4[%add3A_114, %dma_wait3A_121] : memref<16384x512xf32, #tpu.memory_space<hbm>> -> memref<32x512xf32, #tpu.memory_space<hbm>>
          %dma_wait3A_123 = arith.constant 0 : i32
          %dma_wait3A_124 = tpu.memref_slice %arg6[%mul3A_111, %dma_wait3A_123] : memref<224x512xf32, #tpu.memory_space<vmem>> -> memref<32x512xf32, #tpu.memory_space<vmem>>
          tpu.wait_dma2 semaphore(%dma_wait3A_120 : memref<!tpu.dma_semaphore, #tpu.memory_space<semaphore_mem>>) src(%dma_wait3A_124 : memref<32x512xf32, #tpu.memory_space<vmem>>) dst(%dma_wait3A_122 : memref<32x512xf32, #tpu.memory_space<hbm>>)
        } else {
        }
        %rem3A_90 = arith.constant 7 : i32
        %rem3A_91 = arith.remsi %sub3A_82, %rem3A_90 : i32
        %mul3A_92 = arith.constant 32 : i32
        %mul3A_93 = arith.muli %sub3A_82, %mul3A_92 : i32
        %mul3A_94 = arith.constant 32 : i32
        %mul3A_95 = arith.muli %rem3A_91, %mul3A_94 : i32
        %dma_start3A_96 = arith.constant 0 : i32
        %dma_start3A_97 = tpu.memref_slice %arg6[%mul3A_95, %dma_start3A_96] : memref<224x512xf32, #tpu.memory_space<vmem>> -> memref<32x512xf32, #tpu.memory_space<vmem>>
        %dma_start3A_98 = tpu.memref_slice %arg5[%mul3A_93] : memref<512xi32, #tpu.memory_space<vmem>> -> memref<32xi32, #tpu.memory_space<vmem>>
        %dma_start3A_99 = arith.constant 0 : i32
        %dma_start3A_100 = arith.constant 0 : i32
        %dma_start3A_101 = tpu.memref_slice %arg3[%dma_start3A_99, %dma_start3A_100] : memref<100000x512xf32, #tpu.memory_space<hbm>> -> memref<100000x512xf32, #tpu.memory_space<hbm>>
        %dma_start3A_102 = tpu.memref_slice %arg7[%rem3A_91] : memref<7x!tpu.dma_semaphore, #tpu.memory_space<semaphore_mem>> -> memref<1x!tpu.dma_semaphore, #tpu.memory_space<semaphore_mem>>
        %dma_start3A_103 = tpu.memref_squeeze %dma_start3A_102 : memref<1x!tpu.dma_semaphore, #tpu.memory_space<semaphore_mem>> -> memref<!tpu.dma_semaphore, #tpu.memory_space<semaphore_mem>>
        tpu.enqueue_indirect_dma source(%dma_start3A_101 : memref<100000x512xf32, #tpu.memory_space<hbm>>) target(%dma_start3A_97 : memref<32x512xf32, #tpu.memory_space<vmem>>) offsets(%dma_start3A_98 : memref<32xi32, #tpu.memory_space<vmem>>) semaphore(%dma_start3A_103 : memref<!tpu.dma_semaphore, #tpu.memory_space<semaphore_mem>>)
      } else {
      }
    }
    %scan3A_43 = arith.constant 16 : i32
    %scan3A_44 = arith.constant 10 : i32
    %scan3A_45 = arith.constant 6 : i32
    %scan3A_46 = arith.addi %scan3A_44, %scan3A_45 : i32
    %scan3A_47 = arith.constant 1 : i32
    scf.for %scan3A_49 = %scan3A_44 to %scan3A_46 step %scan3A_47  : i32 {
      %rem3A_50 = arith.constant 7 : i32
      %rem3A_51 = arith.remsi %scan3A_49, %rem3A_50 : i32
      %mul3A_52 = arith.constant 32 : i32
      %mul3A_53 = arith.muli %rem3A_51, %mul3A_52 : i32
      %mul3A_54 = arith.constant 32 : i32
      %mul3A_55 = arith.muli %scan3A_49, %mul3A_54 : i32
      %add3A_56 = arith.addi %mul3A_2, %mul3A_55 : i32
      %dma_wait3A = arith.constant 0 : i32
      %dma_wait3A_57 = tpu.memref_slice %arg6[%mul3A_53, %dma_wait3A] : memref<224x512xf32, #tpu.memory_space<vmem>> -> memref<32x512xf32, #tpu.memory_space<vmem>>
      %dma_wait3A_58 = arith.constant 0 : i32
      %dma_wait3A_59 = tpu.memref_slice %arg4[%add3A_56, %dma_wait3A_58] : memref<16384x512xf32, #tpu.memory_space<hbm>> -> memref<32x512xf32, #tpu.memory_space<hbm>>
      %dma_wait3A_60 = tpu.memref_slice %arg8[%rem3A_51] : memref<7x!tpu.dma_semaphore, #tpu.memory_space<semaphore_mem>> -> memref<1x!tpu.dma_semaphore, #tpu.memory_space<semaphore_mem>>
      %dma_wait3A_61 = tpu.memref_squeeze %dma_wait3A_60 : memref<1x!tpu.dma_semaphore, #tpu.memory_space<semaphore_mem>> -> memref<!tpu.dma_semaphore, #tpu.memory_space<semaphore_mem>>
      %dma_wait3A_62 = arith.constant 0 : i32
      %dma_wait3A_63 = tpu.memref_slice %arg4[%add3A_56, %dma_wait3A_62] : memref<16384x512xf32, #tpu.memory_space<hbm>> -> memref<32x512xf32, #tpu.memory_space<hbm>>
      %dma_wait3A_64 = arith.constant 0 : i32
      %dma_wait3A_65 = tpu.memref_slice %arg6[%mul3A_53, %dma_wait3A_64] : memref<224x512xf32, #tpu.memory_space<vmem>> -> memref<32x512xf32, #tpu.memory_space<vmem>>
      tpu.wait_dma2 semaphore(%dma_wait3A_61 : memref<!tpu.dma_semaphore, #tpu.memory_space<semaphore_mem>>) src(%dma_wait3A_65 : memref<32x512xf32, #tpu.memory_space<vmem>>) dst(%dma_wait3A_63 : memref<32x512xf32, #tpu.memory_space<hbm>>)
    }
    %scan3A_48 = arith.constant 6 : i32
    return
  }
}

</mosaic_0001>

<sc_bundles>
// kernel: kernel.3.cloned.1.call-start
scs
__scs_entry_jumppad:
0x0: {  	(pc) =	sbr.rel $0x88, $3  }
0x1: {  	(tag) =	ssettag $0x0;
	lr =	simm.s32 $0x1  }
0x2: {  	[smem:$0x3F9F] =	sst lr;
	_ =	strace $0xD0000000  }
0x3: {  	_ = 	snop  }
0x4: {  	_ = 	snop  }
0x5: {  	_ = 	snop  }
0x6: {  	_ = 	snop  }
0x7: {  	_ = 	snop  }
__scs_overlays_trampoline_lowered:
0x8: {  	[smem:$0x3FAE] =	sst s0  }
0x9: {  	[smem:$0x3FAF] =	sst s1  }
0xa: {  	[smem:$0x3FB0] =	sst s2  }
0xb: {  	[smem:$0x3FB1] =	sst s3  }
0xc: {  	[smem:$0x3FB2] =	sst s4  }
0xd: {  	[smem:$0x3FB3] =	sst s5  }
0xe: {  	[smem:$0x3FB4] =	sst s6  }
0xf: {  	[smem:$0x3FB5] =	sst s7  }
0x10: {  	[smem:$0x3FB6] =	sst s8  }
0x11: {  	[smem:$0x3FB7] =	sst s9;
	s0 =	simm.s32 @!p0 $0x0  }
0x12: {  	s1 =	sld [smem:$0x3F9D];
	s0 =	simm.s32 @p0 $0x1  }
0x13: {  	[smem:$0x3FB8] =	sst s0;
	s0 =	simm.s32 @!p1 $0x0  }
0x14: {  	s2 =	sld [smem:$0x3F9C];
	s0 =	simm.s32 @p1 $0x1  }
0x15: {  	[smem:$0x3FB9] =	sst s0;
	s0 =	simm.s32 @!p2 $0x0  }
0x16: {  	s3 =	sld [smem:$0x3FDB];
	s0 =	simm.s32 @p2 $0x1  }
0x17: {  	s4 =	simm.s32 $0x1BF5;
	[smem:$0x3FBB] =	sst s0  }
0x18: {  	s0 =	sld [smem:$0x3F9E];
	_ =	swait.ge [sflag:s4], $0x0  }
0x19: {  	s7 =	sld [smem:$0x3F9F]  }
0x1a: {  	s8 =	sadd.s32 $0xFFFFE003, lr  }
0x1b: {  	s9 =	sadd.s32 $0xFFFFFEF7, lr;
	s5 =	simm.s32 $0xFFFFFFFF;
	p2 =	slt.u32 s8, $0xFFFFF086  }
0x1c: {  	p1 =	slt.u32 s9, $0xF7A;
	s5 =	simm.s32 @!p2 $0x0  }
0x1d: {  	s5 =	simm.s32 @p1 $0x1;
	p0 =	seq.s32 s7, s2  }
0x1e: {  	s7 =	smul.u32 @!p0 $0xF7A, s2;
	p2 =	seq.s32 @!p0 s5, $0x0  }
0x1f: {  	s9 =	smul.u32 $0xF7A, s1;
	s8 =	simm.s32 @!p0 $0x1BF5;
	p2 =	por !p2, p0  }
0x20: {  	[sflag:s8] =	ssyncset.s32 @!p0 $0xFFFFF086;
	s6 =	sadd.s32 @!p0 s3, s7;
	s7 =	simm.s32 @!p0 $0x108  }
0x21: {  	s3 =	sadd.s32 s3, s9;
	s6 =	sadd.s32 @!p0 $0x88, s6;
	s7 =	simm.s32 @p2 $0x1082  }
0x22: {  	[simem:s7], [sflag:s8] =	dma.local @!p0 [hbm:s6], $0xF7A  }
0x23: {  	s9 =	sor.u32 $0xD0000000, s2;
	s6 =	simm.s32 $0x108;
	_ =	swait.ge @!p0 [sflag:s8], $0x0  }
0x24: {  	s3 =	sadd.s32 $0x88, s3;
	s6 =	simm.s32 @!p1 $0x1082;
	[sflag:s4] =	ssyncset.s32 $0xFFFFF086  }
0x25: {  	[simem:s6], [sflag:s4] =	dma.local [hbm:s3], $0xF7A  }
0x26: {  	[smem:$0x3F9F] =	sst s1;
	(tag) =	ssettag s2;
	_ =	strace s9  }
0x27: {  	s1 =	sld [smem:$0x3FAF]  }
0x28: {  	s2 =	sld [smem:$0x3FB0]  }
0x29: {  	s4 =	sld [smem:$0x3FB2]  }
0x2a: {  	p0 =	seq.s32 s5, $0x0;
	s5 =	sld [smem:$0x3FB3]  }
0x2b: {  	s6 =	sld [smem:$0x3FB4]  }
0x2c: {  	s7 =	sld [smem:$0x3FB5]  }
0x2d: {  	s3 =	simm.s32 $0x108;
	s8 =	sld [smem:$0x3FB6]  }
0x2e: {  	s3 =	simm.s32 @!p0 $0x1082;
	s9 =	sld [smem:$0x3FB7]  }
0x2f: {  	lr =	sadd.s32 s0, s3;
	s0 =	sld [smem:$0x3FAE]  }
0x30: {  	s3 =	sld [smem:$0x3FB1]  }
0x31: {  	[smem:$0x3FBA] =	sst s10  }
0x32: {  	s10 =	sld [smem:$0x3FB8];
	_ =	sdelay $0x3  }
0x33: {  	p0 =	seq.s32 s10, $0x1;
	s10 =	sld [smem:$0x3FBA];
	_ =	sdelay $0x3  }
0x34: {  	[smem:$0x3FBA] =	sst s10  }
0x35: {  	s10 =	sld [smem:$0x3FB9];
	_ =	sdelay $0x3  }
0x36: {  	p1 =	seq.s32 s10, $0x1;
	s10 =	sld [smem:$0x3FBA];
	_ =	sdelay $0x3  }
0x37: {  	[smem:$0x3FBA] =	sst s10  }
0x38: {  	s10 =	sld [smem:$0x3FBB]  }
0x39: {  	_ = 	snop;
	(pc) =	sbr.ind lr, $3  }
0x3a: {  	_ = 	snop  }
0x3b: {  	_ = 	snop  }
0x3c: {  	p2 =	seq.s32 s10, $0x1;
	s10 =	sld [smem:$0x3FBA]  }
0x3d: {  	_ =	shalt  }
0x3e: {  	_ =	shalt  }
0x3f: {  	_ =	shalt  }
0x40: {  	_ =	shalt  }
0x41: {  	_ =	shalt  }
0x42: {  	_ =	shalt  }
0x43: {  	_ =	shalt  }
0x44: {  	_ =	shalt  }
0x45: {  	_ =	shalt  }
0x46: {  	_ =	shalt  }
0x47: {  	_ =	shalt  }
0x48: {  	_ =	shalt  }
0x49: {  	_ =	shalt  }
0x4a: {  	_ =	shalt  }
0x4b: {  	_ =	shalt  }
0x4c: {  	_ =	shalt  }
0x4d: {  	_ =	shalt  }
0x4e: {  	_ =	shalt  }
0x4f: {  	_ =	shalt  }
0x50: {  	_ =	shalt  }
0x51: {  	_ =	shalt  }
0x52: {  	_ =	shalt  }
0x53: {  	_ =	shalt  }
0x54: {  	_ =	shalt  }
0x55: {  	_ =	shalt  }
0x56: {  	_ =	shalt  }
0x57: {  	_ =	shalt  }
0x58: {  	_ =	shalt  }
0x59: {  	_ =	shalt  }
0x5a: {  	_ =	shalt  }
0x5b: {  	_ =	shalt  }
0x5c: {  	_ =	shalt  }
0x5d: {  	_ =	shalt  }
0x5e: {  	_ =	shalt  }
0x5f: {  	_ =	shalt  }
0x60: {  	_ =	shalt  }
0x61: {  	_ =	shalt  }
0x62: {  	_ =	shalt  }
0x63: {  	_ =	shalt  }
0x64: {  	_ =	shalt  }
0x65: {  	_ =	shalt  }
0x66: {  	_ =	shalt  }
0x67: {  	_ =	shalt  }
0x68: {  	_ =	shalt  }
0x69: {  	_ =	shalt  }
0x6a: {  	_ =	shalt  }
0x6b: {  	_ =	shalt  }
0x6c: {  	_ =	shalt  }
0x6d: {  	_ =	shalt  }
0x6e: {  	_ =	shalt  }
0x6f: {  	_ =	shalt  }
0x70: {  	_ =	shalt  }
0x71: {  	_ =	shalt  }
0x72: {  	_ =	shalt  }
0x73: {  	_ =	shalt  }
0x74: {  	_ =	shalt  }
0x75: {  	_ =	shalt  }
0x76: {  	_ =	shalt  }
0x77: {  	_ =	shalt  }
0x78: {  	_ =	shalt  }
0x79: {  	_ =	shalt  }
0x7a: {  	_ =	shalt  }
0x7b: {  	_ =	shalt  }
0x7c: {  	_ =	shalt  }
0x7d: {  	_ =	shalt  }
0x7e: {  	_ =	shalt  }
0x7f: {  	_ =	shalt  }
0x80: {  	_ =	shalt  }
0x81: {  	_ =	shalt  }
0x82: {  	_ =	shalt  }
0x83: {  	_ =	shalt  }
0x84: {  	_ =	shalt  }
0x85: {  	_ =	shalt  }
0x86: {  	_ =	shalt  }
0x87: {  	_ =	shalt  }
.Lfunc_end0:
.L_simem_size_0:
called_computation_lowered:
.L_overlay_start_0:
0x88: {  	s2 =	sld [smem:$0x3FD9]  }
0x89: {  	s3 =	sld [smem:$0x3FFE];
	_ =	sdelay $0x1  }
0x8a: {  	s1 =	srdreg.scid  }
0x8b: {  	s0 =	sand.u32 $0x1, s1  }
0x8c: {  	s18 =	sshll.u32 s0, $0xA;
	s2 =	sadd.s32 s3, s2  }
0x8d: {  	s2 =	sadd.s32 s2, s18  }
0x8e: {  	[smem:$0x3FC6] =	sst s2  }
0x8f: {  	_ = 	snop  }
0x90: {  	s2 =	sld [smem:$0x3FC9]  }
0x91: {  	s19 =	sld [smem:$0x3FC8]  }
0x92: {  	s4 =	sld [smem:$0x3FD0];
	(tm) =	ssettm $0x1  }
0x93: {  	s5 =	sld [smem:$0x3FFB];
	_ =	sdelay $0x3  }
0x94: {  	_ =	strace s5  }
0x95: {  	s5 =	sld [smem:$0x3FFC];
	_ =	sdelay $0x3  }
0x96: {  	_ =	strace s5  }
0x97: {  	s5 =	sld [smem:$0x3FFD];
	_ =	sdelay $0x3  }
0x98: {  	_ =	strace s5  }
0x99: {  	_ =	strace $0x8FFFFFFF  }
0x9a: {  	s20 =	sld [smem:$0x3FDB];
	_ =	sdelay $0x1  }
0x9b: {  	s6 =	simm.s32 $_scs_section_size  }
0x9c: {  	s7 =	simm.s32 $_size__tile_overlayer_lowered;
	s8 =	simm.s32 $_tile_overlayer_lowered  }
0x9d: {  	s23 =	simm.s32 $0x1BFF;
	s22 =	sshll.u32 s8, $0x1;
	s5 =	sadd.s32 s6, s20  }
0x9e: {  	s9 =	simm.s32 $0x0;
	s21 =	sshll.u32 s7, $0x1;
	s7 =	sadd.s32 s22, s5  }
0x9f: {  	[timem:s9], [sflag:s23] =	dma.local [hbm:s7], s21  }
0xa0: {  	_ =	swait.ge [sflag:s23], s21  }
0xa1: {  	s6 =	ssub.s32 $0x0, s21;
	[sflag:s23] =	ssyncset.done $0x0  }
0xa2: {  	[sflag:s23] =	ssyncadd.s32 s6;
	_ =	sdelay $0x1  }
0xa3: {  	s24 =	simm.s32 $0x1B8B  }
0xa4: {  	_ =	swait.ge [sflag:s24], $0x1  }
0xa5: {  	[sflag:s24] =	ssyncset.done $0x0  }
0xa6: {  	s25 =	simm.s32 $0x1B8E;
	[sflag:s24] =	ssyncadd.s32 $0xFFFFFFFF  }
0xa7: {  	s26 =	simm.s32 $execute0_lowered;
	[smem:$0x3FD2] =	sst s25  }
0xa8: {  	s6 =	sshll.u32 s26, $0x1;
	_ =	strace $0x80000046;
	[dreg:$0x1] =	wrdreg $0xFFFFFFFF  }
0xa9: {  	s28 =	simm.s32 $_size_execute0_lowered;
	s5 =	sadd.s32 s5, s6;
	[dreg:$0x0] =	wrdreg $0x0  }
0xaa: {  	s6 =	sshll.u32 s28, $0x1;
	[dreg:$0x2] =	wrdreg s5  }
0xab: {  	[dreg:$0x3] =	wrdreg s6  }
0xac: {  	[dreg:$0x4] =	wrdreg $0xC0  }
0xad: {  	_ =	task [dreg:s9], $0x5FFFF  }
0xae: {  	[dreg:$0x1] =	wrdreg $0xFFFFFFFF  }
0xaf: {  	[dreg:$0x0] =	wrdreg $0x60  }
0xb0: {  	[dreg:$0x2] =	wrdreg s2  }
0xb1: {  	[dreg:$0x3] =	wrdreg s19  }
0xb2: {  	[dreg:$0x4] =	wrdreg s4  }
0xb3: {  	[dreg:$0x5] =	wrdreg $0x9  }
0xb4: {  	_ =	task.clear_ibuf [dreg:s9], $0x6FFFF;
	_ =	strace $0x90000046  }
0xb5: {  	s29 =	simm.s32 $0x9;
	_ =	strace $0x80000048  }
0xb6: {  	_ =	swait.ge [sflag:s29], $0x1  }
0xb7: {  	[sflag:s29] =	ssyncadd.s32 $0xFFFFFFFF  }
0xb8: {  	_ =	strace $0x90000048  }
0xb9: {  	_ =	sfence  }
0xba: {  	s30 =	sld [smem:$0x0];
	_ =	sdelay $0x2  }
0xbb: {  	s31 =	sshll.u32 s1, $0xD;
	s1 =	sshrl.u32 s1, $0x2  }
0xbc: {  	s3 =	sand.u32 $0x4000, s31;
	s1 =	sadd.s32 s1, s30  }
0xbd: {  	s0 =	sor.u32 s3, s0;
	s1 =	sshll.u32 s1, $0x11  }
0xbe: {  	s0 =	sor.u32 s1, s0  }
0xbf: {  	s0 =	sadd.s32 $0x8F2B, s0  }
0xc0: {  	[sflag:s0] =	ssyncadd.remote.s32 $0x1  }
0xc1: {  	_ =	sfence.sel $0xFFFF  }
0xc2: {  	[dreg:$0x0] =	wrdreg $0xFFFFFFFF;
	(pc) =	sbr.abs _section_cstart, $3  }
0xc3: {  	[dreg:$0x1] =	wrdreg $0xFFFFFFFF  }
0xc4: {  	_ =	task.clear_ibuf [dreg:s9], $0x2FFFF;
	_ =	strace $0x9FFFFFFF  }
0xc5: {  	(tm) =	ssettm $0x7FFFFFFF  }
tec
execute0_lowered:
.L_overlay_start_1:
0x0: {  	(tag) =	ssettag $0x1  }
0x1: {  	s0 =	rddreg [dreg:$0x0]  }
0x2: {  	s1 =	rddreg [dreg:$0x1]  }
0x3: {  	s2 =	rddreg [dreg:$0x2];
	s3 =	simm.s32 $0x0;
	s4 =	srdreg.scid  }
0x4: {  	s6 =	stileid.u32;
	s9 =	simm.s32 $0x200;
	s10 =	simm.s32 $0xF  }
0x5: {  	s11 =	simm.s32 $0x17A00;
	s12 =	simm.s32 $0xB;
	s13 =	simm.s32 $0xC  }
0x6: {  	s14 =	simm.s32 $0xD;
	s15 =	simm.s32 $0xE;
	s16 =	simm.s32 $0x8  }
0x7: {  	s17 =	simm.s32 $0x9;
	s18 =	simm.s32 $0x0;
	[smem:$0x7FF] =	sst s3  }
0x8: {  	s4 =	sand.u32 $0x1, s4;
	s5 =	sshll.u32 s6, $0x1;
	s6 =	sshll.u32 s6, $0x2  }
0x9: {  	_ =	strace $0x80000047;
	s5 =	sor.u32 s4, s5;
	s4 =	ssub.s32 $0x2, s4  }
.Ltmp0:
0xa: {  	s6 =	sand.u32 $0x30, s6;
	s7 =	sshll.u32 s5, $0x8;
	(pc) =	sbr.rel .LBB2_1-.Ltmp0, $4  }
0xb: {  	s8 =	sshrl.u32 s4, $0x1;
	s0 =	sadd.s32 s0, s6;
	s31 =	sshll.u32 s5, $0xF  }
0xc: {  	v2 =	vlaneseq.u32;
	s5 =	sadd.s32 $0x100, s1;
	s7 =	sand.u32 $0x700, s7;
	s8 =	ssub.s32 s4, s8  }
0xd: {  	vm0 =	vmmov $0xffff;
	v1 =	vshrl.u32 v2, $0x3;
	s6 =	sadd.s32 s2, s31;
	s2 =	simm.s32 $0x16A00;
	s4 =	sadd.s32 s7, s0  }
0xe: {  	v0 =	vand.u32 $0x7, v2;
	v2 =	vor.u32 $0x8, v2;
	v1 =	vmul.u32 $0x8, v1;
	s7 =	smax.u32 s8, $0x1;
	s0 =	simm.s32 $0x16200;
	s8 =	simm.s32 $0x17200  }
.LBB2_7:
0xf: {  	_ =	swait.ge [sflag:s12], $0x4000  }
0x10: {  	[sflag:s12] =	ssyncset.done $0x0  }
0x11: {  	[sflag:s12] =	ssyncadd.s32 $0xFFFFC000  }
0x12: {  	_ =	swait.ge [sflag:s13], $0x4000  }
0x13: {  	[sflag:s13] =	ssyncset.done $0x0  }
0x14: {  	[sflag:s13] =	ssyncadd.s32 $0xFFFFC000  }
0x15: {  	_ =	swait.ge [sflag:s14], $0x4000  }
0x16: {  	[sflag:s14] =	ssyncset.done $0x0  }
0x17: {  	[sflag:s14] =	ssyncadd.s32 $0xFFFFC000  }
0x18: {  	_ =	swait.ge [sflag:s15], $0x4000  }
0x19: {  	[sflag:s15] =	ssyncset.done $0x0  }
0x1a: {  	s18 =	sadd.s32 $0x1, s18;
	[sflag:s15] =	ssyncadd.s32 $0xFFFFC000  }
0x1b: {  	p0 =	sne.s32 s18, s7;
	_ =	swait.ge [sflag:s16], $0x4000  }
.Ltmp1:
0x1c: {  	[sflag:s16] =	ssyncset.done $0x0;
	(pc) =	sbr.rel @!p0 .LBB2_8-.Ltmp1, $4  }
0x1d: {  	[sflag:s16] =	ssyncadd.s32 $0xFFFFC000  }
0x1e: {  	_ =	swait.ge [sflag:s17], $0x4000  }
0x1f: {  	[sflag:s17] =	ssyncset.done $0x0  }
0x20: {  	[sflag:s17] =	ssyncadd.s32 $0xFFFFC000  }
.LBB2_1:
0x21: {  	s19 =	simm.s32 $0x80  }
0x22: {  	[tilespmem:s3], [sflag:$0xF] =	stream.strided.gather [hbm4b:s4+s19], $0x200, s9, s19, $0x38;
	[tilespmem:$0x1C200] =	vst v63  }
0x23: {  	_ =	swait.ge [sflag:s10], $0x200  }
0x24: {  	[sflag:s10] =	ssyncset.done $0x0  }
0x25: {  	[sflag:s10] =	ssyncadd.s32 $0xFFFFFE00  }
0x26: {  	v3 =	vld [tilespmem:$0x0];
	_ =	sdelay $0x4  }
0x27: {  	v4 =	vshll.u32 v3, $0x2  }
0x28: {  	v3 =	vand.u32 $0x7, v3;
	v4 =	vand.u32 $0xFFFFFFE0, v4  }
0x29: {  	v3 =	vor.u32 v3, v4  }
0x2a: {  	v4 =	vperm.xlane v3, v0;
	_ =	sdelay $0x1  }
0x2b: {  	v4 =	vadd.s32 v1, v4;
	_ =	sdelay $0x1  }
0x2c: {  	v3 =	vperm.xlane v3, v2;
	_ =	sdelay $0x1  }
0x2d: {  	v3 =	vadd.s32 v1, v3  }
0x2e: {  	[tilespmem:s9], [sflag:$0x1] =	stream.indirect_vreg.gather [hbm4b:s1+s3], $0x80, v4, vm0, $0xb8;
	[tilespmem:$0x1C200] =	vst v63  }
0x2f: {  	s21 =	simm.s32 $0xA00  }
0x30: {  	[tilespmem:s21], [sflag:$0x1] =	stream.indirect_vreg.gather [hbm4b:s5+s3], $0x80, v4, vm0, $0xb8;
	[tilespmem:$0x1C200] =	vst v63  }
0x31: {  	s22 =	simm.s32 $0x1200  }
0x32: {  	[tilespmem:s22], [sflag:$0x1] =	stream.indirect_vreg.gather [hbm4b:s1+s3], $0x80, v3, vm0, $0xb8;
	[tilespmem:$0x1C200] =	vst v63  }
0x33: {  	s23 =	simm.s32 $0x1A00  }
0x34: {  	[tilespmem:s23], [sflag:$0x1] =	stream.indirect_vreg.gather [hbm4b:s5+s3], $0x80, v3, vm0, $0xb8;
	[tilespmem:$0x1C200] =	vst v63  }
0x35: {  	v3 =	vld [tilespmem:$0x10];
	_ =	sdelay $0x4  }
0x36: {  	v53 =	vshll.u32 v3, $0x2  }
0x37: {  	v3 =	vand.u32 $0x7, v3;
	v4 =	vand.u32 $0xFFFFFFE0, v53  }
0x38: {  	v3 =	vor.u32 v3, v4  }
0x39: {  	v4 =	vperm.xlane v3, v0;
	_ =	sdelay $0x1  }
0x3a: {  	v4 =	vadd.s32 v1, v4;
	_ =	sdelay $0x1  }
0x3b: {  	v3 =	vperm.xlane v3, v2;
	_ =	sdelay $0x1  }
0x3c: {  	s24 =	simm.s32 $0x2200;
	v3 =	vadd.s32 v1, v3  }
0x3d: {  	[tilespmem:s24], [sflag:$0x1] =	stream.indirect_vreg.gather [hbm4b:s1+s3], $0x80, v4, vm0, $0xb8;
	[tilespmem:$0x1C200] =	vst v63  }
0x3e: {  	s25 =	simm.s32 $0x2A00  }
0x3f: {  	[tilespmem:s25], [sflag:$0x1] =	stream.indirect_vreg.gather [hbm4b:s5+s3], $0x80, v4, vm0, $0xb8;
	[tilespmem:$0x1C200] =	vst v63  }
0x40: {  	s26 =	simm.s32 $0x3200  }
0x41: {  	[tilespmem:s26], [sflag:$0x1] =	stream.indirect_vreg.gather [hbm4b:s1+s3], $0x80, v3, vm0, $0xb8;
	[tilespmem:$0x1C200] =	vst v63  }
0x42: {  	s28 =	simm.s32 $0x3A00  }
0x43: {  	[tilespmem:s28], [sflag:$0x1] =	stream.indirect_vreg.gather [hbm4b:s5+s3], $0x80, v3, vm0, $0xb8;
	[tilespmem:$0x1C200] =	vst v63  }
0x44: {  	v3 =	vld [tilespmem:$0x20];
	_ =	sdelay $0x4  }
0x45: {  	v54 =	vshll.u32 v3, $0x2  }
0x46: {  	v3 =	vand.u32 $0x7, v3;
	v4 =	vand.u32 $0xFFFFFFE0, v54  }
0x47: {  	v3 =	vor.u32 v3, v4  }
0x48: {  	v4 =	vperm.xlane v3, v0;
	_ =	sdelay $0x1  }
0x49: {  	v4 =	vadd.s32 v1, v4;
	_ =	sdelay $0x1  }
0x4a: {  	v3 =	vperm.xlane v3, v2;
	_ =	sdelay $0x1  }
0x4b: {  	s29 =	simm.s32 $0x4200;
	v3 =	vadd.s32 v1, v3  }
0x4c: {  	[tilespmem:s29], [sflag:$0x2] =	stream.indirect_vreg.gather [hbm4b:s1+s3], $0x80, v4, vm0, $0xb8;
	[tilespmem:$0x1C200] =	vst v63  }
0x4d: {  	s30 =	simm.s32 $0x4A00  }
0x4e: {  	[tilespmem:s30], [sflag:$0x2] =	stream.indirect_vreg.gather [hbm4b:s5+s3], $0x80, v4, vm0, $0xb8;
	[tilespmem:$0x1C200] =	vst v63  }
0x4f: {  	s31 =	simm.s32 $0x5200  }
0x50: {  	[tilespmem:s31], [sflag:$0x2] =	stream.indirect_vreg.gather [hbm4b:s1+s3], $0x80, v3, vm0, $0xb8;
	[tilespmem:$0x1C200] =	vst v63  }
0x51: {  	s20 =	simm.s32 $0x5A00  }
0x52: {  	[tilespmem:s20], [sflag:$0x2] =	stream.indirect_vreg.gather [hbm4b:s5+s3], $0x80, v3, vm0, $0xb8;
	[tilespmem:$0x1C200] =	vst v63  }
0x53: {  	v3 =	vld [tilespmem:$0x30];
	_ =	sdelay $0x4  }
0x54: {  	v55 =	vshll.u32 v3, $0x2  }
0x55: {  	v3 =	vand.u32 $0x7, v3;
	v4 =	vand.u32 $0xFFFFFFE0, v55  }
0x56: {  	v3 =	vor.u32 v3, v4  }
0x57: {  	v4 =	vperm.xlane v3, v0;
	_ =	sdelay $0x1  }
0x58: {  	v4 =	vadd.s32 v1, v4;
	_ =	sdelay $0x1  }
0x59: {  	v3 =	vperm.xlane v3, v2;
	_ =	sdelay $0x1  }
0x5a: {  	s21 =	simm.s32 $0x6200;
	v3 =	vadd.s32 v1, v3  }
0x5b: {  	[tilespmem:s21], [sflag:$0x2] =	stream.indirect_vreg.gather [hbm4b:s1+s3], $0x80, v4, vm0, $0xb8;
	[tilespmem:$0x1C200] =	vst v63  }
0x5c: {  	s22 =	simm.s32 $0x6A00  }
0x5d: {  	[tilespmem:s22], [sflag:$0x2] =	stream.indirect_vreg.gather [hbm4b:s5+s3], $0x80, v4, vm0, $0xb8;
	[tilespmem:$0x1C200] =	vst v63  }
0x5e: {  	s23 =	simm.s32 $0x7200  }
0x5f: {  	[tilespmem:s23], [sflag:$0x2] =	stream.indirect_vreg.gather [hbm4b:s1+s3], $0x80, v3, vm0, $0xb8;
	[tilespmem:$0x1C200] =	vst v63  }
0x60: {  	s24 =	simm.s32 $0x7A00  }
0x61: {  	[tilespmem:s24], [sflag:$0x2] =	stream.indirect_vreg.gather [hbm4b:s5+s3], $0x80, v3, vm0, $0xb8;
	[tilespmem:$0x1C200] =	vst v63  }
0x62: {  	v3 =	vld [tilespmem:$0x40];
	_ =	sdelay $0x4  }
0x63: {  	v56 =	vshll.u32 v3, $0x2  }
0x64: {  	v3 =	vand.u32 $0x7, v3;
	v4 =	vand.u32 $0xFFFFFFE0, v56  }
0x65: {  	v3 =	vor.u32 v3, v4  }
0x66: {  	v4 =	vperm.xlane v3, v0;
	_ =	sdelay $0x1  }
0x67: {  	v4 =	vadd.s32 v1, v4;
	_ =	sdelay $0x1  }
0x68: {  	v3 =	vperm.xlane v3, v2;
	_ =	sdelay $0x1  }
0x69: {  	s25 =	simm.s32 $0x8200;
	v3 =	vadd.s32 v1, v3  }
0x6a: {  	[tilespmem:s25], [sflag:$0x3] =	stream.indirect_vreg.gather [hbm4b:s1+s3], $0x80, v4, vm0, $0xb8;
	[tilespmem:$0x1C200] =	vst v63  }
0x6b: {  	s26 =	simm.s32 $0x8A00  }
0x6c: {  	[tilespmem:s26], [sflag:$0x3] =	stream.indirect_vreg.gather [hbm4b:s5+s3], $0x80, v4, vm0, $0xb8;
	[tilespmem:$0x1C200] =	vst v63  }
0x6d: {  	s28 =	simm.s32 $0x9200  }
0x6e: {  	[tilespmem:s28], [sflag:$0x3] =	stream.indirect_vreg.gather [hbm4b:s1+s3], $0x80, v3, vm0, $0xb8;
	[tilespmem:$0x1C200] =	vst v63  }
0x6f: {  	s29 =	simm.s32 $0x9A00  }
0x70: {  	[tilespmem:s29], [sflag:$0x3] =	stream.indirect_vreg.gather [hbm4b:s5+s3], $0x80, v3, vm0, $0xb8;
	[tilespmem:$0x1C200] =	vst v63  }
0x71: {  	v3 =	vld [tilespmem:$0x50];
	_ =	sdelay $0x4  }
0x72: {  	v57 =	vshll.u32 v3, $0x2  }
0x73: {  	v3 =	vand.u32 $0x7, v3;
	v4 =	vand.u32 $0xFFFFFFE0, v57  }
0x74: {  	v3 =	vor.u32 v3, v4  }
0x75: {  	v4 =	vperm.xlane v3, v0;
	_ =	sdelay $0x1  }
0x76: {  	v4 =	vadd.s32 v1, v4;
	_ =	sdelay $0x1  }
0x77: {  	v3 =	vperm.xlane v3, v2;
	_ =	sdelay $0x1  }
0x78: {  	s30 =	simm.s32 $0xA200;
	v3 =	vadd.s32 v1, v3  }
0x79: {  	[tilespmem:s30], [sflag:$0x3] =	stream.indirect_vreg.gather [hbm4b:s1+s3], $0x80, v4, vm0, $0xb8;
	[tilespmem:$0x1C200] =	vst v63  }
0x7a: {  	s31 =	simm.s32 $0xAA00  }
0x7b: {  	[tilespmem:s31], [sflag:$0x3] =	stream.indirect_vreg.gather [hbm4b:s5+s3], $0x80, v4, vm0, $0xb8;
	[tilespmem:$0x1C200] =	vst v63  }
0x7c: {  	s20 =	simm.s32 $0xB200  }
0x7d: {  	[tilespmem:s20], [sflag:$0x3] =	stream.indirect_vreg.gather [hbm4b:s1+s3], $0x80, v3, vm0, $0xb8;
	[tilespmem:$0x1C200] =	vst v63  }
0x7e: {  	s21 =	simm.s32 $0xBA00  }
0x7f: {  	[tilespmem:s21], [sflag:$0x3] =	stream.indirect_vreg.gather [hbm4b:s5+s3], $0x80, v3, vm0, $0xb8;
	[tilespmem:$0x1C200] =	vst v63  }
0x80: {  	v3 =	vld [tilespmem:$0x60];
	_ =	sdelay $0x4  }
0x81: {  	v58 =	vshll.u32 v3, $0x2  }
0x82: {  	v3 =	vand.u32 $0x7, v3;
	v4 =	vand.u32 $0xFFFFFFE0, v58  }
0x83: {  	v3 =	vor.u32 v3, v4  }
0x84: {  	v4 =	vperm.xlane v3, v0;
	_ =	sdelay $0x1  }
0x85: {  	v4 =	vadd.s32 v1, v4;
	_ =	sdelay $0x1  }
0x86: {  	v3 =	vperm.xlane v3, v2;
	_ =	sdelay $0x1  }
0x87: {  	s22 =	simm.s32 $0xC200;
	v3 =	vadd.s32 v1, v3  }
0x88: {  	[tilespmem:s22], [sflag:$0x4] =	stream.indirect_vreg.gather [hbm4b:s1+s3], $0x80, v4, vm0, $0xb8;
	[tilespmem:$0x1C200] =	vst v63  }
0x89: {  	s23 =	simm.s32 $0xCA00  }
0x8a: {  	[tilespmem:s23], [sflag:$0x4] =	stream.indirect_vreg.gather [hbm4b:s5+s3], $0x80, v4, vm0, $0xb8;
	[tilespmem:$0x1C200] =	vst v63  }
0x8b: {  	s24 =	simm.s32 $0xD200  }
0x8c: {  	[tilespmem:s24], [sflag:$0x4] =	stream.indirect_vreg.gather [hbm4b:s1+s3], $0x80, v3, vm0, $0xb8;
	[tilespmem:$0x1C200] =	vst v63  }
0x8d: {  	s25 =	simm.s32 $0xDA00  }
0x8e: {  	[tilespmem:s25], [sflag:$0x4] =	stream.indirect_vreg.gather [hbm4b:s5+s3], $0x80, v3, vm0, $0xb8;
	[tilespmem:$0x1C200] =	vst v63  }
0x8f: {  	v3 =	vld [tilespmem:$0x70];
	_ =	sdelay $0x4  }
0x90: {  	v59 =	vshll.u32 v3, $0x2  }
0x91: {  	v3 =	vand.u32 $0x7, v3;
	v4 =	vand.u32 $0xFFFFFFE0, v59  }
0x92: {  	v3 =	vor.u32 v3, v4  }
0x93: {  	v4 =	vperm.xlane v3, v0;
	_ =	sdelay $0x1  }
0x94: {  	v4 =	vadd.s32 v1, v4;
	_ =	sdelay $0x1  }
0x95: {  	v3 =	vperm.xlane v3, v2;
	_ =	sdelay $0x1  }
0x96: {  	s26 =	simm.s32 $0xE200;
	v3 =	vadd.s32 v1, v3  }
0x97: {  	[tilespmem:s26], [sflag:$0x4] =	stream.indirect_vreg.gather [hbm4b:s1+s3], $0x80, v4, vm0, $0xb8;
	[tilespmem:$0x1C200] =	vst v63  }
0x98: {  	s28 =	simm.s32 $0xEA00  }
0x99: {  	[tilespmem:s28], [sflag:$0x4] =	stream.indirect_vreg.gather [hbm4b:s5+s3], $0x80, v4, vm0, $0xb8;
	[tilespmem:$0x1C200] =	vst v63  }
0x9a: {  	s29 =	simm.s32 $0xF200  }
0x9b: {  	[tilespmem:s29], [sflag:$0x4] =	stream.indirect_vreg.gather [hbm4b:s1+s3], $0x80, v3, vm0, $0xb8;
	[tilespmem:$0x1C200] =	vst v63  }
0x9c: {  	s30 =	simm.s32 $0xFA00  }
0x9d: {  	[tilespmem:s30], [sflag:$0x4] =	stream.indirect_vreg.gather [hbm4b:s5+s3], $0x80, v3, vm0, $0xb8;
	[tilespmem:$0x1C200] =	vst v63  }
0x9e: {  	v3 =	vld [tilespmem:$0x80];
	_ =	sdelay $0x4  }
0x9f: {  	v60 =	vshll.u32 v3, $0x2  }
0xa0: {  	v3 =	vand.u32 $0x7, v3;
	v4 =	vand.u32 $0xFFFFFFE0, v60  }
0xa1: {  	v3 =	vor.u32 v3, v4  }
0xa2: {  	v4 =	vperm.xlane v3, v0;
	_ =	sdelay $0x1  }
0xa3: {  	v4 =	vadd.s32 v1, v4;
	_ =	sdelay $0x1  }
0xa4: {  	v3 =	vperm.xlane v3, v2;
	_ =	sdelay $0x1  }
0xa5: {  	s31 =	simm.s32 $0x10200;
	v3 =	vadd.s32 v1, v3  }
0xa6: {  	[tilespmem:s31], [sflag:$0x5] =	stream.indirect_vreg.gather [hbm4b:s1+s3], $0x80, v4, vm0, $0xb8;
	[tilespmem:$0x1C200] =	vst v63  }
0xa7: {  	s20 =	simm.s32 $0x10A00  }
0xa8: {  	[tilespmem:s20], [sflag:$0x5] =	stream.indirect_vreg.gather [hbm4b:s5+s3], $0x80, v4, vm0, $0xb8;
	[tilespmem:$0x1C200] =	vst v63  }
0xa9: {  	s21 =	simm.s32 $0x11200  }
0xaa: {  	[tilespmem:s21], [sflag:$0x5] =	stream.indirect_vreg.gather [hbm4b:s1+s3], $0x80, v3, vm0, $0xb8;
	[tilespmem:$0x1C200] =	vst v63  }
0xab: {  	s22 =	simm.s32 $0x11A00  }
0xac: {  	[tilespmem:s22], [sflag:$0x5] =	stream.indirect_vreg.gather [hbm4b:s5+s3], $0x80, v3, vm0, $0xb8;
	[tilespmem:$0x1C200] =	vst v63  }
0xad: {  	v3 =	vld [tilespmem:$0x90];
	_ =	sdelay $0x4  }
0xae: {  	v61 =	vshll.u32 v3, $0x2  }
0xaf: {  	v3 =	vand.u32 $0x7, v3;
	v4 =	vand.u32 $0xFFFFFFE0, v61  }
0xb0: {  	v3 =	vor.u32 v3, v4  }
0xb1: {  	v4 =	vperm.xlane v3, v0;
	_ =	sdelay $0x1  }
0xb2: {  	v4 =	vadd.s32 v1, v4;
	_ =	sdelay $0x1  }
0xb3: {  	v3 =	vperm.xlane v3, v2;
	_ =	sdelay $0x1  }
0xb4: {  	s23 =	simm.s32 $0x12200;
	v3 =	vadd.s32 v1, v3  }
0xb5: {  	[tilespmem:s23], [sflag:$0x5] =	stream.indirect_vreg.gather [hbm4b:s1+s3], $0x80, v4, vm0, $0xb8;
	[tilespmem:$0x1C200] =	vst v63  }
0xb6: {  	s24 =	simm.s32 $0x12A00  }
0xb7: {  	[tilespmem:s24], [sflag:$0x5] =	stream.indirect_vreg.gather [hbm4b:s5+s3], $0x80, v4, vm0, $0xb8;
	[tilespmem:$0x1C200] =	vst v63  }
0xb8: {  	s25 =	simm.s32 $0x13200  }
0xb9: {  	[tilespmem:s25], [sflag:$0x5] =	stream.indirect_vreg.gather [hbm4b:s1+s3], $0x80, v3, vm0, $0xb8;
	[tilespmem:$0x1C200] =	vst v63  }
0xba: {  	s26 =	simm.s32 $0x13A00  }
0xbb: {  	[tilespmem:s26], [sflag:$0x5] =	stream.indirect_vreg.gather [hbm4b:s5+s3], $0x80, v3, vm0, $0xb8;
	[tilespmem:$0x1C200] =	vst v63  }
0xbc: {  	v3 =	vld [tilespmem:$0xA0];
	_ =	sdelay $0x4  }
0xbd: {  	v62 =	vshll.u32 v3, $0x2  }
0xbe: {  	v3 =	vand.u32 $0x7, v3;
	v4 =	vand.u32 $0xFFFFFFE0, v62  }
0xbf: {  	v3 =	vor.u32 v3, v4  }
0xc0: {  	v4 =	vperm.xlane v3, v0;
	_ =	sdelay $0x1  }
0xc1: {  	v4 =	vadd.s32 v1, v4;
	_ =	sdelay $0x1  }
0xc2: {  	v3 =	vperm.xlane v3, v2;
	_ =	sdelay $0x1  }
0xc3: {  	s28 =	simm.s32 $0x14200;
	v3 =	vadd.s32 v1, v3  }
0xc4: {  	[tilespmem:s28], [sflag:$0x6] =	stream.indirect_vreg.gather [hbm4b:s1+s3], $0x80, v4, vm0, $0xb8;
	[tilespmem:$0x1C200] =	vst v63  }
0xc5: {  	s29 =	simm.s32 $0x14A00  }
0xc6: {  	[tilespmem:s29], [sflag:$0x6] =	stream.indirect_vreg.gather [hbm4b:s5+s3], $0x80, v4, vm0, $0xb8;
	[tilespmem:$0x1C200] =	vst v63  }
0xc7: {  	s30 =	simm.s32 $0x15200  }
0xc8: {  	[tilespmem:s30], [sflag:$0x6] =	stream.indirect_vreg.gather [hbm4b:s1+s3], $0x80, v3, vm0, $0xb8;
	[tilespmem:$0x1C200] =	vst v63  }
0xc9: {  	s31 =	simm.s32 $0x15A00  }
0xca: {  	[tilespmem:s31], [sflag:$0x6] =	stream.indirect_vreg.gather [hbm4b:s5+s3], $0x80, v3, vm0, $0xb8;
	[tilespmem:$0x1C200] =	vst v63  }
0xcb: {  	v3 =	vld [tilespmem:$0xB0];
	_ =	sdelay $0x4  }
0xcc: {  	v63 =	vshll.u32 v3, $0x2  }
0xcd: {  	v3 =	vand.u32 $0x7, v3;
	v4 =	vand.u32 $0xFFFFFFE0, v63  }
0xce: {  	v3 =	vor.u32 v3, v4  }
0xcf: {  	v4 =	vperm.xlane v3, v0;
	_ =	sdelay $0x1  }
0xd0: {  	v4 =	vadd.s32 v1, v4;
	_ =	sdelay $0x2  }
0xd1: {  	v3 =	vperm.xlane v3, v2;
	_ =	sdelay $0x1  }
0xd2: {  	v3 =	vadd.s32 v1, v3;
	[tilespmem:s0], [sflag:$0x6] =	stream.indirect_vreg.gather [hbm4b:s1+s3], $0x80, v4, vm0, $0xb8;
	[tilespmem:$0x1C200] =	vst v63  }
0xd3: {  	_ = 	snop  }
0xd4: {  	[tilespmem:s2], [sflag:$0x6] =	stream.indirect_vreg.gather [hbm4b:s5+s3], $0x80, v4, vm0, $0xb8;
	[tilespmem:$0x1C200] =	vst v63  }
.Ltmp2:
0xd5: {  	_ = 	snop;
	(pc) =	sbr.rel .LBB2_2-.Ltmp2, $4  }
0xd6: {  	_ = 	snop  }
0xd7: {  	[tilespmem:s8], [sflag:$0x6] =	stream.indirect_vreg.gather [hbm4b:s1+s3], $0x80, v3, vm0, $0xb8;
	[tilespmem:$0x1C200] =	vst v63  }
0xd8: {  	s19 =	simm.s32 $0x0;
	s20 =	simm.s32 $0x0  }
0xd9: {  	[tilespmem:s11], [sflag:$0x6] =	stream.indirect_vreg.gather [hbm4b:s5+s3], $0x80, v3, vm0, $0xb8;
	[tilespmem:$0x1C200] =	vst v63  }
.LBB2_6:
0xda: {  	s20 =	sadd.s32 $0x1, s20  }
0xdb: {  	p0 =	sne.s32 s20, $0x10  }
.Ltmp3:
0xdc: {  	_ = 	snop;
	(pc) =	sbr.rel @!p0 .LBB2_7-.Ltmp3, $2  }
0xdd: {  	_ =	sdelay $0x2  }
0xde: {  	s19 =	sadd.s32 $0x4000, s19  }
.LBB2_2:
0xdf: {  	s21 =	smul.u32 $0x25, s20;
	_ =	sdelay $0x1  }
0xe0: {  	s21 =	sshrl.u32 s21, $0x8  }
0xe1: {  	s22 =	ssub.s32 s20, s21  }
0xe2: {  	s22 =	sand.u32 $0xFE, s22  }
0xe3: {  	s22 =	sshrl.u32 s22, $0x1  }
0xe4: {  	s23 =	smulhi.u32 $0x24924925, s20;
	s21 =	sadd.s32 s21, s22  }
0xe5: {  	s21 =	sand.u32 $0xFC, s21  }
0xe6: {  	s26 =	ssub.s32 s20, s23;
	s21 =	sshrl.u32 s21, $0x2  }
0xe7: {  	s22 =	sshrl.u32 s26, $0x1;
	s21 =	smul.u32 $0x7, s21  }
0xe8: {  	s22 =	sadd.s32 s23, s22  }
0xe9: {  	s22 =	sshrl.u32 s22, $0x2;
	s21 =	ssub.s32 s20, s21  }
0xea: {  	s22 =	smul.u32 $0x1C000, s22;
	s21 =	sand.u32 $0xFF, s21  }
0xeb: {  	s24 =	sadd.s32 $0x1, s21  }
0xec: {  	s23 =	simm.s32 $0x0;
	s28 =	ssub.s32 s19, s22;
	_ =	swait.ge [sflag:s24], $0x4000  }
0xed: {  	s25 =	sand.u32 $0x300, s23;
	s22 =	sand.u32 $0x1F000, s28;
	[sflag:s24] =	ssyncset.done $0x0  }
0xee: {  	s22 =	sor.u32 s25, s22;
	[sflag:s24] =	ssyncadd.s32 $0xFFFFC000  }
0xef: {  	v3 =	vld [tilespmem:s22+$0x240]  }
0xf0: {  	v4 =	vld [tilespmem:s22+$0x250]  }
0xf1: {  	v5 =	vld [tilespmem:s22+$0x260]  }
0xf2: {  	v6 =	vld [tilespmem:s22+$0x270]  }
0xf3: {  	v7 =	vld [tilespmem:s22+$0x640]  }
0xf4: {  	v8 =	vld [tilespmem:s22+$0x200]  }
0xf5: {  	v9 =	vld [tilespmem:s22+$0x210];
	v3 =	vmul.f32 $2.262741660e+01, v3  }
0xf6: {  	v10 =	vld [tilespmem:s22+$0x290];
	v5 =	vmul.f32 $2.262741660e+01, v5  }
0xf7: {  	v4 =	vmul.f32 $2.262741660e+01, v4;
	[tilespmem:s22+$0x240] =	vst v3;
	v3 =	vld [tilespmem:s22+$0x220]  }
0xf8: {  	v11 =	vld [tilespmem:s22+$0x2A0];
	[tilespmem:s22+$0x260] =	vst v5;
	v5 =	vmul.f32 $2.262741660e+01, v6  }
0xf9: {  	v7 =	vmul.f32 $2.262741660e+01, v7;
	[tilespmem:s22+$0x250] =	vst v4;
	v6 =	vld [tilespmem:s22+$0x600]  }
0xfa: {  	v4 =	vld [tilespmem:s22+$0x230];
	[tilespmem:s22+$0x270] =	vst v5;
	v5 =	vmul.f32 $2.262741660e+01, v8  }
0xfb: {  	[tilespmem:s22+$0x640] =	vst v7;
	v7 =	vmul.f32 $2.262741660e+01, v9;
	v8 =	vld [tilespmem:s22+$0x610]  }
0xfc: {  	[tilespmem:s22+$0x200] =	vst v5;
	v5 =	vld [tilespmem:s22+$0x620];
	v3 =	vmul.f32 $2.262741660e+01, v3  }
0xfd: {  	v11 =	vmul.f32 $2.262741660e+01, v11;
	[tilespmem:s22+$0x210] =	vst v7;
	v7 =	vld [tilespmem:s22+$0x630]  }
0xfe: {  	v6 =	vmul.f32 $2.262741660e+01, v6;
	[tilespmem:s22+$0x220] =	vst v3;
	v3 =	vld [tilespmem:s22+$0xA00]  }
0xff: {  	v9 =	vld [tilespmem:s22+$0xA30];
	[tilespmem:s22+$0x2A0] =	vst v11;
	v4 =	vmul.f32 $2.262741660e+01, v4  }
0x100: {  	[tilespmem:s22+$0x600] =	vst v6;
	v6 =	vmul.f32 $2.262741660e+01, v8;
	v8 =	vld [tilespmem:s22+$0xA20]  }
0x101: {  	[tilespmem:s22+$0x230] =	vst v4;
	v4 =	vld [tilespmem:s22+$0xA10];
	v5 =	vmul.f32 $2.262741660e+01, v5  }
0x102: {  	v11 =	vld [tilespmem:s22+$0xA70];
	[tilespmem:s22+$0x610] =	vst v6;
	v6 =	vmul.f32 $2.262741660e+01, v7  }
0x103: {  	[tilespmem:s22+$0x620] =	vst v5;
	v5 =	vld [tilespmem:s22+$0x650];
	v3 =	vmul.f32 $2.262741660e+01, v3  }
0x104: {  	v9 =	vmul.f32 $2.262741660e+01, v9;
	[tilespmem:s22+$0x630] =	vst v6;
	v6 =	vld [tilespmem:s22+$0x660]  }
0x105: {  	[tilespmem:s22+$0xA00] =	vst v3;
	v3 =	vmul.f32 $2.262741660e+01, v8;
	v8 =	vld [tilespmem:s22+$0x280]  }
0x106: {  	[tilespmem:s22+$0xA30] =	vst v9;
	v7 =	vld [tilespmem:s22+$0x670];
	v4 =	vmul.f32 $2.262741660e+01, v4  }
0x107: {  	s30 =	sand.u32 $0x3, s23;
	v9 =	vmul.f32 $2.262741660e+01, v10;
	[tilespmem:s22+$0xA20] =	vst v3;
	v3 =	vld [tilespmem:s22+$0xA50]  }
0x108: {  	s24 =	sshll.u32 s30, $0x8;
	[tilespmem:s22+$0xA10] =	vst v4;
	v4 =	vld [tilespmem:s22+$0xA40];
	v5 =	vmul.f32 $2.262741660e+01, v5  }
0x109: {  	s24 =	sadd.s32 s24, s28;
	[tilespmem:s22+$0x290] =	vst v9;
	v9 =	vld [tilespmem:s22+$0x2F0];
	v6 =	vmul.f32 $2.262741660e+01, v6  }
0x10a: {  	s31 =	sor.u32 $0xC00, s24;
	[tilespmem:s22+$0x650] =	vst v5;
	v5 =	vld [tilespmem:s22+$0x680];
	v8 =	vmul.f32 $2.262741660e+01, v8  }
0x10b: {  	v7 =	vmul.f32 $2.262741660e+01, v7;
	v62 =	vld [tilespmem:s31+$0x200];
	[tilespmem:s22+$0x660] =	vst v6  }
0x10c: {  	[tilespmem:s22+$0x280] =	vst v8;
	v8 =	vld [tilespmem:s22+$0xA60];
	v3 =	vmul.f32 $2.262741660e+01, v3  }
0x10d: {  	v4 =	vmul.f32 $2.262741660e+01, v4;
	[tilespmem:s22+$0x670] =	vst v7  }
0x10e: {  	v6 =	vld [tilespmem:s22+$0x690];
	[tilespmem:s22+$0xA50] =	vst v3;
	v3 =	vmul.f32 $2.262741660e+01, v9  }
0x10f: {  	[tilespmem:s22+$0xA40] =	vst v4;
	v5 =	vmul.f32 $2.262741660e+01, v5  }
0x110: {  	[tilespmem:s22+$0x2F0] =	vst v3;
	v3 =	vmul.f32 $2.262741660e+01, v11  }
0x111: {  	[tilespmem:s22+$0x680] =	vst v5;
	v8 =	vmul.f32 $2.262741660e+01, v8  }
0x112: {  	v5 =	vmul.f32 $2.262741660e+01, v62;
	[tilespmem:s22+$0xA70] =	vst v3  }
0x113: {  	v6 =	vmul.f32 $2.262741660e+01, v6;
	[tilespmem:s22+$0xA60] =	vst v8  }
0x114: {  	v12 =	vld [tilespmem:s22+$0x2B0];
	s26 =	sor.u32 $0xC10, s24;
	[tilespmem:s31+$0x200] =	vst v5  }
0x115: {  	[tilespmem:s22+$0x690] =	vst v6;
	v6 =	vld [tilespmem:s26+$0x200]  }
0x116: {  	v3 =	vld [tilespmem:s22+$0x6E0]  }
0x117: {  	v9 =	vld [tilespmem:s22+$0x6C0]  }
0x118: {  	v7 =	vld [tilespmem:s22+$0x6A0]  }
0x119: {  	v13 =	vld [tilespmem:s22+$0x2C0];
	v12 =	vmul.f32 $2.262741660e+01, v12  }
0x11a: {  	v4 =	vld [tilespmem:s22+$0x6B0];
	v6 =	vmul.f32 $2.262741660e+01, v6  }
0x11b: {  	[tilespmem:s22+$0x2B0] =	vst v12;
	v10 =	vld [tilespmem:s22+$0x2E0];
	v3 =	vmul.f32 $2.262741660e+01, v3  }
0x11c: {  	s30 =	sor.u32 $0xC20, s24;
	v8 =	vld [tilespmem:s22+$0x6D0];
	v9 =	vmul.f32 $2.262741660e+01, v9;
	[tilespmem:s26+$0x200] =	vst v6  }
0x11d: {  	v7 =	vmul.f32 $2.262741660e+01, v7;
	[tilespmem:s22+$0x6E0] =	vst v3;
	v3 =	vld [tilespmem:s30+$0x200]  }
0x11e: {  	v13 =	vmul.f32 $2.262741660e+01, v13;
	[tilespmem:s22+$0x6C0] =	vst v9;
	v9 =	vld [tilespmem:s22+$0xAA0]  }
0x11f: {  	v4 =	vmul.f32 $2.262741660e+01, v4;
	[tilespmem:s22+$0x6A0] =	vst v7;
	v7 =	vld [tilespmem:s22+$0xA80]  }
0x120: {  	[tilespmem:s22+$0x2C0] =	vst v13;
	v10 =	vmul.f32 $2.262741660e+01, v10;
	v5 =	vld [tilespmem:s22+$0x6F0]  }
0x121: {  	[tilespmem:s22+$0x6B0] =	vst v4;
	v4 =	vld [tilespmem:s22+$0xA90];
	v8 =	vmul.f32 $2.262741660e+01, v8  }
0x122: {  	v14 =	vld [tilespmem:s22+$0x2D0];
	[tilespmem:s22+$0x2E0] =	vst v10;
	v3 =	vmul.f32 $2.262741660e+01, v3  }
0x123: {  	[tilespmem:s22+$0x6D0] =	vst v8;
	v8 =	vld [tilespmem:s22+$0xAB0];
	v9 =	vmul.f32 $2.262741660e+01, v9  }
0x124: {  	s31 =	sor.u32 $0xC30, s24;
	v7 =	vmul.f32 $2.262741660e+01, v7;
	v6 =	vld [tilespmem:s22+$0xAC0];
	[tilespmem:s30+$0x200] =	vst v3  }
0x125: {  	v5 =	vmul.f32 $2.262741660e+01, v5;
	[tilespmem:s22+$0xAA0] =	vst v9;
	v9 =	vld [tilespmem:s31+$0x200]  }
0x126: {  	v4 =	vmul.f32 $2.262741660e+01, v4;
	[tilespmem:s22+$0xA80] =	vst v7;
	v7 =	vld [tilespmem:s22+$0xAE0]  }
0x127: {  	v63 =	vmul.f32 $2.262741660e+01, v14;
	[tilespmem:s22+$0x6F0] =	vst v5;
	v5 =	vld [tilespmem:s22+$0xAD0]  }
0x128: {  	v10 =	vld [tilespmem:s22+$0xAF0];
	[tilespmem:s22+$0xA90] =	vst v4;
	v4 =	vmul.f32 $2.262741660e+01, v8  }
0x129: {  	[tilespmem:s22+$0x2D0] =	vst v63;
	v8 =	vld [tilespmem:s22+$0xE80];
	v3 =	vmul.f32 $2.262741660e+01, v6  }
0x12a: {  	[tilespmem:s22+$0xAB0] =	vst v4;
	v6 =	vld [tilespmem:s22+$0xE90];
	v9 =	vmul.f32 $2.262741660e+01, v9  }
0x12b: {  	v7 =	vmul.f32 $2.262741660e+01, v7;
	v4 =	vld [tilespmem:s22+$0xEA0];
	[tilespmem:s22+$0xAC0] =	vst v3  }
0x12c: {  	s29 =	sor.u32 $0xC40, s24;
	v5 =	vmul.f32 $2.262741660e+01, v5;
	v3 =	vld [tilespmem:s22+$0xEB0];
	[tilespmem:s31+$0x200] =	vst v9  }
0x12d: {  	v10 =	vmul.f32 $2.262741660e+01, v10;
	[tilespmem:s22+$0xAE0] =	vst v7;
	v7 =	vld [tilespmem:s29+$0x200]  }
0x12e: {  	[tilespmem:s22+$0xAD0] =	vst v5;
	v5 =	vld [tilespmem:s22+$0xEC0];
	v9 =	vmul.f32 $2.262741660e+01, v8  }
0x12f: {  	s25 =	simm.s32 $0x0;
	s28 =	sadd.s32 $0x400, s28;
	[tilespmem:s22+$0xAF0] =	vst v10;
	s26 =	simm.s32 $0x100;
	v8 =	vmul.f32 $2.262741660e+01, v6;
	v6 =	vld [tilespmem:s22+$0xED0]  }
.LBB2_3:
0x130: {  	s30 =	sand.u32 $0x1F000, s28;
	s31 =	sand.u32 $0x300, s26;
	[tilespmem:s22+$0xE80] =	vst v9;
	v4 =	vmul.f32 $2.262741660e+01, v4;
	v9 =	vld [tilespmem:s22+$0xEE0]  }
0x131: {  	s30 =	sor.u32 s31, s30;
	[tilespmem:s22+$0xE90] =	vst v8;
	v3 =	vmul.f32 $2.262741660e+01, v3;
	v8 =	vld [tilespmem:s22+$0xEF0]  }
0x132: {  	v10 =	vld [tilespmem:s30+$0x240];
	v7 =	vmul.f32 $2.262741660e+01, v7;
	[tilespmem:s22+$0xEA0] =	vst v4  }
0x133: {  	v4 =	vld [tilespmem:s30+$0x250];
	[tilespmem:s22+$0xEB0] =	vst v3;
	v3 =	vmul.f32 $2.262741660e+01, v5  }
0x134: {  	v5 =	vld [tilespmem:s30+$0x260];
	[tilespmem:s29+$0x200] =	vst v7;
	s29 =	sor.u32 $0xC50, s24;
	v6 =	vmul.f32 $2.262741660e+01, v6  }
0x135: {  	v7 =	vld [tilespmem:s29+$0x200];
	[tilespmem:s22+$0xEC0] =	vst v3;
	v3 =	vmul.f32 $2.262741660e+01, v9  }
0x136: {  	v9 =	vld [tilespmem:s30+$0x270];
	[tilespmem:s22+$0xED0] =	vst v6;
	v6 =	vmul.f32 $2.262741660e+01, v8  }
0x137: {  	v8 =	vmul.f32 $2.262741660e+01, v10;
	v10 =	vld [tilespmem:s30+$0x640];
	[tilespmem:s22+$0xEE0] =	vst v3  }
0x138: {  	v3 =	vld [tilespmem:s30+$0x200];
	v4 =	vmul.f32 $2.262741660e+01, v4;
	[tilespmem:s22+$0xEF0] =	vst v6;
	s22 =	smov.u32 s30  }
0x139: {  	v6 =	vld [tilespmem:s22+$0x210];
	[tilespmem:s22+$0x240] =	vst v8;
	v5 =	vmul.f32 $2.262741660e+01, v5  }
0x13a: {  	v8 =	vld [tilespmem:s22+$0x220];
	[tilespmem:s22+$0x250] =	vst v4;
	v4 =	vmul.f32 $2.262741660e+01, v7  }
0x13b: {  	v7 =	vld [tilespmem:s22+$0x230];
	[tilespmem:s22+$0x260] =	vst v5;
	v5 =	vmul.f32 $2.262741660e+01, v9  }
0x13c: {  	v9 =	vld [tilespmem:s22+$0x600];
	v10 =	vmul.f32 $2.262741660e+01, v10;
	[tilespmem:s29+$0x200] =	vst v4;
	s29 =	sor.u32 $0xC60, s24  }
0x13d: {  	v3 =	vmul.f32 $2.262741660e+01, v3;
	[tilespmem:s22+$0x270] =	vst v5;
	v4 =	vld [tilespmem:s29+$0x200]  }
0x13e: {  	v5 =	vmul.f32 $2.262741660e+01, v6;
	v6 =	vld [tilespmem:s22+$0x610];
	[tilespmem:s22+$0x640] =	vst v10  }
0x13f: {  	[tilespmem:s22+$0x200] =	vst v3;
	v3 =	vmul.f32 $2.262741660e+01, v8;
	v8 =	vld [tilespmem:s22+$0x620]  }
0x140: {  	[tilespmem:s22+$0x210] =	vst v5;
	v5 =	vmul.f32 $2.262741660e+01, v7;
	v7 =	vld [tilespmem:s22+$0x630]  }
0x141: {  	[tilespmem:s22+$0x220] =	vst v3;
	v3 =	vmul.f32 $2.262741660e+01, v9;
	v9 =	vld [tilespmem:s22+$0xA00]  }
0x142: {  	[tilespmem:s22+$0x230] =	vst v5;
	v5 =	vld [tilespmem:s22+$0xA10];
	v4 =	vmul.f32 $2.262741660e+01, v4  }
0x143: {  	s25 =	sadd.s32 $0x2, s25;
	[tilespmem:s22+$0x600] =	vst v3;
	v3 =	vmul.f32 $2.262741660e+01, v6;
	v6 =	vld [tilespmem:s22+$0xA20]  }
0x144: {  	p0 =	slt.u32 s25, $0x1E;
	v8 =	vmul.f32 $2.262741660e+01, v8;
	v10 =	vld [tilespmem:s22+$0xA30];
	[tilespmem:s29+$0x200] =	vst v4;
	s29 =	sor.u32 $0xC70, s24  }
0x145: {  	[tilespmem:s22+$0x610] =	vst v3;
	v3 =	vmul.f32 $2.262741660e+01, v7;
	v4 =	vld [tilespmem:s29+$0x200]  }
0x146: {  	[tilespmem:s22+$0x620] =	vst v8;
	v7 =	vld [tilespmem:s22+$0x650];
	v8 =	vmul.f32 $2.262741660e+01, v9  }
0x147: {  	[tilespmem:s22+$0x630] =	vst v3;
	v3 =	vld [tilespmem:s22+$0x660];
	v5 =	vmul.f32 $2.262741660e+01, v5  }
0x148: {  	s23 =	sadd.s32 $0x1, s23;
	v9 =	vld [tilespmem:s22+$0x670];
	[tilespmem:s22+$0xA00] =	vst v8;
	v6 =	vmul.f32 $2.262741660e+01, v6  }
0x149: {  	s24 =	sand.u32 $0x3, s23;
	[tilespmem:s22+$0xA10] =	vst v5;
	v5 =	vmul.f32 $2.262741660e+01, v10;
	v8 =	vld [tilespmem:s22+$0xA40]  }
0x14a: {  	s24 =	sshll.u32 s24, $0x8;
	[tilespmem:s22+$0xA20] =	vst v6;
	v6 =	vld [tilespmem:s22+$0xA50];
	v4 =	vmul.f32 $2.262741660e+01, v4  }
0x14b: {  	s24 =	sadd.s32 s24, s28;
	v7 =	vmul.f32 $2.262741660e+01, v7;
	[tilespmem:s22+$0xA30] =	vst v5;
	v5 =	vld [tilespmem:s22+$0xA60]  }
0x14c: {  	s30 =	sor.u32 $0xC00, s24;
	v3 =	vmul.f32 $2.262741660e+01, v3;
	v10 =	vld [tilespmem:s22+$0xA70];
	[tilespmem:s29+$0x200] =	vst v4  }
0x14d: {  	[tilespmem:s22+$0x650] =	vst v7;
	v4 =	vmul.f32 $2.262741660e+01, v9;
	v7 =	vld [tilespmem:s30+$0x200]  }
0x14e: {  	[tilespmem:s22+$0x660] =	vst v3;
	v3 =	vmul.f32 $2.262741660e+01, v8;
	v8 =	vld [tilespmem:s22+$0x280]  }
0x14f: {  	[tilespmem:s22+$0x670] =	vst v4;
	v4 =	vmul.f32 $2.262741660e+01, v6;
	v6 =	vld [tilespmem:s22+$0x290]  }
0x150: {  	[tilespmem:s22+$0xA40] =	vst v3;
	v3 =	vmul.f32 $2.262741660e+01, v5;
	v5 =	vld [tilespmem:s22+$0x2A0]  }
0x151: {  	[tilespmem:s22+$0xA50] =	vst v4;
	v4 =	vmul.f32 $2.262741660e+01, v10;
	v9 =	vld [tilespmem:s22+$0x2B0]  }
0x152: {  	[tilespmem:s22+$0xA60] =	vst v3;
	v3 =	vmul.f32 $2.262741660e+01, v7;
	v7 =	vld [tilespmem:s22+$0x2C0]  }
0x153: {  	[tilespmem:s22+$0xA70] =	vst v4;
	v4 =	vmul.f32 $2.262741660e+01, v8;
	v8 =	vld [tilespmem:s22+$0x2D0]  }
0x154: {  	s29 =	sor.u32 $0xC10, s24;
	[tilespmem:s30+$0x200] =	vst v3;
	v3 =	vmul.f32 $2.262741660e+01, v6;
	v6 =	vld [tilespmem:s22+$0x2E0]  }
0x155: {  	v10 =	vld [tilespmem:s29+$0x200];
	[tilespmem:s22+$0x280] =	vst v4;
	v4 =	vmul.f32 $2.262741660e+01, v5  }
0x156: {  	[tilespmem:s22+$0x290] =	vst v3;
	v3 =	vmul.f32 $2.262741660e+01, v9;
	v5 =	vld [tilespmem:s22+$0x2F0]  }
0x157: {  	[tilespmem:s22+$0x2A0] =	vst v4;
	v4 =	vmul.f32 $2.262741660e+01, v7;
	v7 =	vld [tilespmem:s22+$0x680]  }
0x158: {  	[tilespmem:s22+$0x2B0] =	vst v3;
	v3 =	vmul.f32 $2.262741660e+01, v8;
	v8 =	vld [tilespmem:s22+$0x690]  }
0x159: {  	[tilespmem:s22+$0x2C0] =	vst v4;
	v4 =	vmul.f32 $2.262741660e+01, v6;
	v6 =	vld [tilespmem:s22+$0x6A0]  }
0x15a: {  	v9 =	vmul.f32 $2.262741660e+01, v10;
	[tilespmem:s22+$0x2D0] =	vst v3;
	v3 =	vld [tilespmem:s22+$0x6B0]  }
0x15b: {  	[tilespmem:s22+$0x2E0] =	vst v4;
	v4 =	vmul.f32 $2.262741660e+01, v5;
	v5 =	vld [tilespmem:s22+$0x6C0]  }
0x15c: {  	[tilespmem:s29+$0x200] =	vst v9;
	s29 =	sor.u32 $0xC20, s24;
	v7 =	vmul.f32 $2.262741660e+01, v7;
	v9 =	vld [tilespmem:s22+$0x6D0]  }
0x15d: {  	v10 =	vld [tilespmem:s29+$0x200];
	[tilespmem:s22+$0x2F0] =	vst v4;
	v4 =	vmul.f32 $2.262741660e+01, v8  }
0x15e: {  	[tilespmem:s22+$0x680] =	vst v7;
	v6 =	vmul.f32 $2.262741660e+01, v6;
	v7 =	vld [tilespmem:s22+$0x6E0]  }
0x15f: {  	[tilespmem:s22+$0x690] =	vst v4;
	v3 =	vmul.f32 $2.262741660e+01, v3;
	v4 =	vld [tilespmem:s22+$0x6F0]  }
0x160: {  	[tilespmem:s22+$0x6A0] =	vst v6;
	v5 =	vmul.f32 $2.262741660e+01, v5;
	v6 =	vld [tilespmem:s22+$0xA80]  }
0x161: {  	[tilespmem:s22+$0x6B0] =	vst v3;
	v3 =	vmul.f32 $2.262741660e+01, v9;
	v8 =	vld [tilespmem:s22+$0xA90]  }
0x162: {  	v9 =	vmul.f32 $2.262741660e+01, v10;
	[tilespmem:s22+$0x6C0] =	vst v5;
	v5 =	vld [tilespmem:s22+$0xAA0]  }
0x163: {  	[tilespmem:s22+$0x6D0] =	vst v3;
	v3 =	vmul.f32 $2.262741660e+01, v7;
	v7 =	vld [tilespmem:s22+$0xAB0]  }
0x164: {  	[tilespmem:s29+$0x200] =	vst v9;
	s29 =	sor.u32 $0xC30, s24;
	v4 =	vmul.f32 $2.262741660e+01, v4;
	v9 =	vld [tilespmem:s22+$0xAC0]  }
0x165: {  	v10 =	vld [tilespmem:s29+$0x200];
	[tilespmem:s22+$0x6E0] =	vst v3;
	v3 =	vmul.f32 $2.262741660e+01, v6  }
0x166: {  	[tilespmem:s22+$0x6F0] =	vst v4;
	v4 =	vmul.f32 $2.262741660e+01, v8;
	v6 =	vld [tilespmem:s22+$0xAD0]  }
0x167: {  	[tilespmem:s22+$0xA80] =	vst v3;
	v3 =	vmul.f32 $2.262741660e+01, v5;
	v5 =	vld [tilespmem:s22+$0xAE0]  }
0x168: {  	[tilespmem:s22+$0xA90] =	vst v4;
	v4 =	vmul.f32 $2.262741660e+01, v7;
	v8 =	vld [tilespmem:s22+$0xAF0]  }
0x169: {  	[tilespmem:s22+$0xAA0] =	vst v3;
	v3 =	vmul.f32 $2.262741660e+01, v9;
	v9 =	vld [tilespmem:s22+$0xE80]  }
0x16a: {  	v7 =	vmul.f32 $2.262741660e+01, v10;
	[tilespmem:s22+$0xAB0] =	vst v4;
	v10 =	vld [tilespmem:s22+$0xE90]  }
.Ltmp4:
0x16b: {  	[tilespmem:s22+$0xAC0] =	vst v3;
	v6 =	vmul.f32 $2.262741660e+01, v6;
	v4 =	vld [tilespmem:s22+$0xEA0];
	(pc) =	sbr.rel @p0 .LBB2_3-.Ltmp4, $4  }
0x16c: {  	[tilespmem:s29+$0x200] =	vst v7;
	s29 =	sor.u32 $0xC40, s24;
	v5 =	vmul.f32 $2.262741660e+01, v5;
	v3 =	vld [tilespmem:s22+$0xEB0]  }
0x16d: {  	v7 =	vld [tilespmem:s29+$0x200];
	[tilespmem:s22+$0xAD0] =	vst v6;
	v6 =	vmul.f32 $2.262741660e+01, v8  }
0x16e: {  	[tilespmem:s22+$0xAE0] =	vst v5;
	v9 =	vmul.f32 $2.262741660e+01, v9;
	v5 =	vld [tilespmem:s22+$0xEC0]  }
0x16f: {  	s26 =	sadd.s32 $0x100, s26;
	s28 =	sadd.s32 $0x400, s28;
	[tilespmem:s22+$0xAF0] =	vst v6;
	v8 =	vmul.f32 $2.262741660e+01, v10;
	v6 =	vld [tilespmem:s22+$0xED0]  }
0x170: {  	_ =	sdelay $0x1  }
0x171: {  	v7 =	vmul.f32 $2.262741660e+01, v7;
	_ =	sdelay $0x1  }
0x172: {  	s23 =	sor.u32 $0xC50, s24;
	[tilespmem:s29+$0x200] =	vst v7  }
0x173: {  	v7 =	vld [tilespmem:s23+$0x200];
	_ =	sdelay $0x4  }
0x174: {  	v7 =	vmul.f32 $2.262741660e+01, v7;
	_ =	sdelay $0x1  }
0x175: {  	s25 =	sor.u32 $0xC60, s24;
	[tilespmem:s23+$0x200] =	vst v7  }
0x176: {  	v7 =	vld [tilespmem:s25+$0x200];
	_ =	sdelay $0x4  }
0x177: {  	v7 =	vmul.f32 $2.262741660e+01, v7  }
0x178: {  	[tilespmem:s22+$0xE80] =	vst v9;
	v59 =	vld [tilespmem:s22+$0xEE0]  }
0x179: {  	v4 =	vmul.f32 $2.262741660e+01, v4;
	v60 =	vld [tilespmem:s22+$0xEF0];
	s26 =	sor.u32 $0xC70, s24;
	[tilespmem:s25+$0x200] =	vst v7  }
0x17a: {  	[tilespmem:s22+$0xE90] =	vst v8;
	v3 =	vmul.f32 $2.262741660e+01, v3;
	v7 =	vld [tilespmem:s26+$0x200]  }
0x17b: {  	[tilespmem:s22+$0xEA0] =	vst v4;
	v61 =	vmul.f32 $2.262741660e+01, v5  }
0x17c: {  	[tilespmem:s22+$0xEB0] =	vst v3;
	v3 =	vmul.f32 $2.262741660e+01, v6  }
0x17d: {  	p0 =	sgt.u32 s20, $0x9;
	[tilespmem:s22+$0xEC0] =	vst v61;
	v62 =	vmul.f32 $2.262741660e+01, v59  }
.Ltmp5:
0x17e: {  	[tilespmem:s22+$0xED0] =	vst v3;
	v3 =	vmul.f32 $2.262741660e+01, v60;
	(pc) =	sbr.rel @p0 .LBB2_6-.Ltmp5, $4  }
0x17f: {  	[tilespmem:s22+$0xEE0] =	vst v62;
	v63 =	vmul.f32 $2.262741660e+01, v7  }
0x180: {  	s28 =	sshll.u32 s21, $0xE;
	s29 =	sshll.u32 s20, $0xB;
	[tilespmem:s22+$0xEF0] =	vst v3  }
0x181: {  	s30 =	sadd.s32 $0x8, s21;
	s31 =	sadd.s32 s29, s6;
	s22 =	sor.u32 $0x200, s28;
	[tilespmem:s26+$0x200] =	vst v63  }
0x182: {  	[hbm4b:s31+s3] =	stream.linear.scatter [tilespmem:s22], [sflag:s30], $0x4000, $0x38;
	[tilespmem:$0x1C200] =	vst v63  }
0x183: {  	p0 =	seq.s32 s20, $0x0  }
0x184: {  	p1 =	slt.u32 @!p0 s20, $0x8  }
0x185: {  	s21 =	simm.s32 @!p0 $0xFFFFFFFF;
	p1 =	por !p1, p0  }
0x186: {  	s21 =	simm.s32 @p1 $0xFFFFFFF8  }
0x187: {  	s21 =	sadd.s32 @!p0 s21, s20  }
0x188: {  	s21 =	sadd.s32 @!p0 $0x8, s21  }
0x189: {  	s22 =	sadd.s32 $0x6, s20;
	_ =	swait.ge @!p0 [sflag:s21], $0x4000  }
0x18a: {  	s23 =	sshll.u32 s22, $0x5;
	[sflag:s21] =	ssyncset.done @!p0 $0x0  }
0x18b: {  	s28 =	sand.u32 $0x3FFFFFE0, s23;
	[sflag:s21] =	ssyncadd.s32 @!p0 $0xFFFFC000  }
0x18c: {  	s29 =	smul.u32 $0x25, s22;
	v3 =	vld [tilespmem:s28+$0x0];
	_ =	sdelay $0x1  }
0x18d: {  	s23 =	sshrl.u32 s29, $0x8  }
0x18e: {  	s24 =	ssub.s32 s22, s23  }
0x18f: {  	s24 =	sand.u32 $0xFE, s24  }
0x190: {  	s24 =	sshrl.u32 s24, $0x1;
	v4 =	vshll.u32 v3, $0x2  }
0x191: {  	s23 =	sadd.s32 s23, s24;
	v3 =	vand.u32 $0x7, v3;
	v4 =	vand.u32 $0xFFFFFFE0, v4  }
0x192: {  	s23 =	sand.u32 $0xFC, s23;
	v3 =	vor.u32 v3, v4  }
0x193: {  	s23 =	sshrl.u32 s23, $0x2;
	v4 =	vperm.xlane v3, v0  }
0x194: {  	s23 =	smul.u32 $0x7, s23  }
0x195: {  	v4 =	vadd.s32 v1, v4  }
0x196: {  	s22 =	ssub.s32 s22, s23  }
0x197: {  	s22 =	sand.u32 $0xFF, s22;
	v3 =	vperm.xlane v3, v2  }
0x198: {  	s23 =	sshll.u32 s22, $0xE  }
0x199: {  	s22 =	sadd.s32 $0x1, s22;
	s30 =	sor.u32 $0x200, s23;
	v3 =	vadd.s32 v1, v3  }
0x19a: {  	[tilespmem:s30], [sflag:s22] =	stream.indirect_vreg.gather [hbm4b:s1+s3], $0x80, v4, vm0, $0xb8;
	[tilespmem:$0x1C200] =	vst v63  }
0x19b: {  	s31 =	sor.u32 $0xA00, s23  }
0x19c: {  	[tilespmem:s31], [sflag:s22] =	stream.indirect_vreg.gather [hbm4b:s5+s3], $0x80, v4, vm0, $0xb8;
	[tilespmem:$0x1C200] =	vst v63  }
0x19d: {  	s25 =	sor.u32 $0x1200, s23  }
0x19e: {  	[tilespmem:s25], [sflag:s22] =	stream.indirect_vreg.gather [hbm4b:s1+s3], $0x80, v3, vm0, $0xb8;
	[tilespmem:$0x1C200] =	vst v63  }
0x19f: {  	s26 =	sor.u32 $0x1A00, s23  }
0x1a0: {  	[tilespmem:s26], [sflag:s22] =	stream.indirect_vreg.gather [hbm4b:s5+s3], $0x80, v3, vm0, $0xb8;
	[tilespmem:$0x1C200] =	vst v63  }
0x1a1: {  	v3 =	vld [tilespmem:s28+$0x10];
	_ =	sdelay $0x4  }
0x1a2: {  	v63 =	vshll.u32 v3, $0x2  }
0x1a3: {  	v3 =	vand.u32 $0x7, v3;
	v4 =	vand.u32 $0xFFFFFFE0, v63  }
0x1a4: {  	v3 =	vor.u32 v3, v4  }
0x1a5: {  	v4 =	vperm.xlane v3, v0;
	_ =	sdelay $0x1  }
0x1a6: {  	v4 =	vadd.s32 v1, v4;
	_ =	sdelay $0x2  }
0x1a7: {  	v3 =	vperm.xlane v3, v2  }
0x1a8: {  	s28 =	sor.u32 $0x2200, s23  }
0x1a9: {  	v3 =	vadd.s32 v1, v3;
	[tilespmem:s28], [sflag:s22] =	stream.indirect_vreg.gather [hbm4b:s1+s3], $0x80, v4, vm0, $0xb8;
	[tilespmem:$0x1C200] =	vst v63  }
0x1aa: {  	s29 =	sor.u32 $0x2A00, s23  }
0x1ab: {  	[tilespmem:s29], [sflag:s22] =	stream.indirect_vreg.gather [hbm4b:s5+s3], $0x80, v4, vm0, $0xb8;
	[tilespmem:$0x1C200] =	vst v63  }
.Ltmp6:
0x1ac: {  	_ = 	snop;
	(pc) =	sbr.rel .LBB2_6-.Ltmp6, $4  }
0x1ad: {  	s30 =	sor.u32 $0x3200, s23  }
0x1ae: {  	[tilespmem:s30], [sflag:s22] =	stream.indirect_vreg.gather [hbm4b:s1+s3], $0x80, v3, vm0, $0xb8;
	[tilespmem:$0x1C200] =	vst v63  }
0x1af: {  	s31 =	sor.u32 $0x3A00, s23  }
0x1b0: {  	[tilespmem:s31], [sflag:s22] =	stream.indirect_vreg.gather [hbm4b:s5+s3], $0x80, v3, vm0, $0xb8;
	[tilespmem:$0x1C200] =	vst v63  }
.LBB2_8:
0x1b1: {  	_ =	sfence.sel $0x180000  }
0x1b2: {  	[bflag:$0x0] =	sbarrier.arrive $0xFFFF  }
0x1b3: {  	_ =	strace $0x90000047  }
0x1b4: {  	s0 =	stileid.u32;
	[bflag:$0x2] =	sbarrier.arrive $0xFFFF  }
0x1b5: {  	p0 =	sne.s32 s0, $0x0;
	s0 =	rddreg [dreg:$0x3]  }
0x1b6: {  	s0 =	sadd.s32 @!p0 $0x100000, s0  }
0x1b7: {  	[sflag:s0] =	ssyncadd.tile.s32 @!p0 $0x1;
	_ =	shalt  }
.Lfunc_end2:
_tile_overlayer_lowered:
.L_overlay_start_2:
0x1b8: {  	(tag) =	ssettag $0x2  }
0x1b9: {  	s0 =	rddreg [dreg:$0x0];
	s2 =	stileid.u32  }
0x1ba: {  	s1 =	rddreg [dreg:$0x1];
	p0 =	sne.s32 s2, $0x0  }
0x1bb: {  	s3 =	rddreg [dreg:$0x2];
	[bflag:$0x3] =	sbarrier.arrive $0xFFFF;
	s2 =	simm.s32 @!p0 $0x1C0F  }
0x1bc: {  	[timem:s3], [sflag:s2] =	dma.local @!p0 [hbm:s0], s1  }
0x1bd: {  	s0 =	simm.s32 @!p0 $0xF  }
0x1be: {  	_ =	swait.ge @!p0 [sflag:s0], s1  }
0x1bf: {  	s1 =	ssub.s32 @!p0 $0x0, s1;
	[sflag:s0] =	ssyncset.done @!p0 $0x0  }
0x1c0: {  	[sflag:s0] =	ssyncadd.s32 @!p0 s1  }
0x1c1: {  	[bflag:$0x3] =	sbarrier.arrive $0xFFFF  }
0x1c2: {  	_ =	shalt  }

</sc_bundles>
